<compile_context>
chip_gen: v7x
topology: tpu7x:2x2x1
jax: 0.10.2.dev20260603
libtpu: 0.0.44.dev20260713+nightly
codegen_flags: <defaults>
</compile_context>

<pallas_src>
import functools

import jax
import jax.numpy as jnp
from jax import lax
from jax.experimental import pallas as pl
from jax.experimental.pallas import tpu as pltpu
from jax.experimental.pallas import tpu_sc as plsc

N_EMBD = 1024
EXPERTS = 8
EXPERT_DIM = 2048
N_TOK = 4096

ROW_TILE = 128
NP_ROWS = 2 * N_TOK + EXPERTS * ROW_TILE
NUM_TILES = NP_ROWS // ROW_TILE

GATE_CHUNK = 256
GATE_STEPS = N_TOK // GATE_CHUNK

NW = 32
TOK_PER_W = N_TOK // NW
DISP_CHUNK = 64
CMB_CHUNK = 32


def _gate_body(x_ref, wg_ref, e0_ref, e1_ref, w0_ref, w1_ref,
               r0_ref, r1_ref, cnt_ref, carry_ref):
    i = pl.program_id(0)

    @pl.when(i == 0)
    def _():
        carry_ref[...] = jnp.zeros_like(carry_ref)

    x = x_ref[...]
    logits = jnp.dot(x, wg_ref[...], preferred_element_type=jnp.float32)
    iota_e = lax.broadcasted_iota(jnp.int32, logits.shape, 1)

    v0 = jnp.max(logits, axis=1, keepdims=True)
    e0 = jnp.min(jnp.where(logits == v0, iota_e, EXPERTS), axis=1,
                 keepdims=True)
    masked = jnp.where(iota_e == e0, -jnp.inf, logits)
    v1 = jnp.max(masked, axis=1, keepdims=True)
    e1 = jnp.min(jnp.where(masked == v1, iota_e, EXPERTS), axis=1,
                 keepdims=True)
    w0 = 1.0 / (1.0 + jnp.exp(v1 - v0))
    w1 = 1.0 - w0

    epair = jnp.concatenate([e0, e1], axis=0)
    oh = (epair == lax.broadcasted_iota(jnp.int32, (2 * GATE_CHUNK, EXPERTS),
                                        1)).astype(jnp.float32)
    ri = lax.broadcasted_iota(jnp.int32, (2 * GATE_CHUNK, 2 * GATE_CHUNK), 0)
    ci = lax.broadcasted_iota(jnp.int32, (2 * GATE_CHUNK, 2 * GATE_CHUNK), 1)
    tril = (ri > ci).astype(jnp.float32)
    ranks = jnp.dot(tril, oh, preferred_element_type=jnp.float32)
    ranks = ranks + carry_ref[...]
    rank_pair = jnp.sum(ranks * oh, axis=1, keepdims=True)

    carry_ref[...] = carry_ref[...] + jnp.sum(oh, axis=0, keepdims=True)

    e0_ref[...] = e0
    e1_ref[...] = e1
    w0_ref[...] = w0
    w1_ref[...] = w1
    r0_ref[...] = rank_pair[:GATE_CHUNK].astype(jnp.int32)
    r1_ref[...] = rank_pair[GATE_CHUNK:].astype(jnp.int32)
    cnt_ref[...] = carry_ref[...]


def _gate(x_flat, Wg):
    f32 = jnp.float32
    i32 = jnp.int32
    outs = pl.pallas_call(
        _gate_body,
        grid=(GATE_STEPS,),
        in_specs=[
            pl.BlockSpec((GATE_CHUNK, N_EMBD), lambda i: (i, 0)),
            pl.BlockSpec((N_EMBD, EXPERTS), lambda i: (0, 0)),
        ],
        out_specs=[
            pl.BlockSpec((GATE_CHUNK, 1), lambda i: (i, 0)),
            pl.BlockSpec((GATE_CHUNK, 1), lambda i: (i, 0)),
            pl.BlockSpec((GATE_CHUNK, 1), lambda i: (i, 0)),
            pl.BlockSpec((GATE_CHUNK, 1), lambda i: (i, 0)),
            pl.BlockSpec((GATE_CHUNK, 1), lambda i: (i, 0)),
            pl.BlockSpec((GATE_CHUNK, 1), lambda i: (i, 0)),
            pl.BlockSpec((1, EXPERTS), lambda i: (0, 0)),
        ],
        out_shape=[
            jax.ShapeDtypeStruct((N_TOK, 1), i32),
            jax.ShapeDtypeStruct((N_TOK, 1), i32),
            jax.ShapeDtypeStruct((N_TOK, 1), f32),
            jax.ShapeDtypeStruct((N_TOK, 1), f32),
            jax.ShapeDtypeStruct((N_TOK, 1), i32),
            jax.ShapeDtypeStruct((N_TOK, 1), i32),
            jax.ShapeDtypeStruct((1, EXPERTS), f32),
        ],
        scratch_shapes=[pltpu.VMEM((1, EXPERTS), f32)],
    )(x_flat, Wg)
    return outs


_SC_MESH = plsc.VectorSubcoreMesh(core_axis_name="c", subcore_axis_name="s")


@functools.partial(
    pl.kernel,
    out_type=jax.ShapeDtypeStruct((NP_ROWS, N_EMBD), jnp.float32),
    mesh=_SC_MESH,
    scratch_types=[
        pltpu.VMEM((DISP_CHUNK, N_EMBD), jnp.float32),
        pltpu.VMEM((DISP_CHUNK,), jnp.int32),
        pltpu.VMEM((DISP_CHUNK,), jnp.int32),
        pltpu.SemaphoreType.DMA,
    ],
)
def _dispatch(x_hbm, pos0_hbm, pos1_hbm, xe_hbm, xbuf, i0, i1, sem):
    wid = lax.axis_index("s") * 2 + lax.axis_index("c")
    t0 = wid * TOK_PER_W

    def chunk(ci, carry):
        b = t0 + ci * DISP_CHUNK
        pltpu.sync_copy(x_hbm.at[pl.ds(b, DISP_CHUNK)], xbuf)
        pltpu.sync_copy(pos0_hbm.at[pl.ds(b, DISP_CHUNK)], i0)
        pltpu.sync_copy(pos1_hbm.at[pl.ds(b, DISP_CHUNK)], i1)
        cp0 = pltpu.async_copy(xbuf, xe_hbm.at[i0], sem)
        cp1 = pltpu.async_copy(xbuf, xe_hbm.at[i1], sem)
        cp0.wait()
        cp1.wait()
        return carry

    lax.fori_loop(0, TOK_PER_W // DISP_CHUNK, chunk, 0)


def _ffn_body(te_ref, xe_ref, w1_ref, b1_ref, w2_ref, b2_ref, y_ref):
    del te_ref
    x = xe_ref[...].astype(jnp.bfloat16)
    h = jnp.dot(x, w1_ref[0], preferred_element_type=jnp.float32)
    h = jax.nn.gelu(h + b1_ref[0])
    y = jnp.dot(h.astype(jnp.bfloat16), w2_ref[0],
                preferred_element_type=jnp.float32)
    y_ref[...] = y + b2_ref[0]


def _ffn(tile_e, xe, W1, b1, W2, b2):
    grid_spec = pltpu.PrefetchScalarGridSpec(
        num_scalar_prefetch=1,
        grid=(NUM_TILES,),
        in_specs=[
            pl.BlockSpec((ROW_TILE, N_EMBD), lambda i, te: (i, 0)),
            pl.BlockSpec((1, N_EMBD, EXPERT_DIM), lambda i, te: (te[i], 0, 0)),
            pl.BlockSpec((1, 1, EXPERT_DIM), lambda i, te: (te[i], 0, 0)),
            pl.BlockSpec((1, EXPERT_DIM, N_EMBD), lambda i, te: (te[i], 0, 0)),
            pl.BlockSpec((1, 1, N_EMBD), lambda i, te: (te[i], 0, 0)),
        ],
        out_specs=pl.BlockSpec((ROW_TILE, N_EMBD), lambda i, te: (i, 0)),
    )
    return pl.pallas_call(
        _ffn_body,
        grid_spec=grid_spec,
        out_shape=jax.ShapeDtypeStruct((NP_ROWS, N_EMBD), jnp.float32),
    )(tile_e, xe, W1, b1, W2, b2)


@functools.partial(
    pl.kernel,
    out_type=[
        jax.ShapeDtypeStruct((N_TOK, N_EMBD), jnp.float32),
        jax.ShapeDtypeStruct((N_TOK, N_EMBD), jnp.float32),
    ],
    mesh=_SC_MESH,
    scratch_types=[
        pltpu.VMEM((CMB_CHUNK, N_EMBD), jnp.float32),
        pltpu.VMEM((CMB_CHUNK, N_EMBD), jnp.float32),
        pltpu.VMEM((CMB_CHUNK,), jnp.int32),
        pltpu.VMEM((CMB_CHUNK,), jnp.int32),
        pltpu.SemaphoreType.DMA,
    ],
)
def _gather2(y_hbm, pos0_hbm, pos1_hbm, y0_hbm, y1_hbm,
             g0, g1, i0, i1, sem):
    wid = lax.axis_index("s") * 2 + lax.axis_index("c")
    t0 = wid * TOK_PER_W

    def chunk(ci, carry):
        b = t0 + ci * CMB_CHUNK
        pltpu.sync_copy(pos0_hbm.at[pl.ds(b, CMB_CHUNK)], i0)
        pltpu.sync_copy(pos1_hbm.at[pl.ds(b, CMB_CHUNK)], i1)
        cp0 = pltpu.async_copy(y_hbm.at[i0], g0, sem)
        cp1 = pltpu.async_copy(y_hbm.at[i1], g1, sem)
        cp0.wait()
        cp1.wait()
        pltpu.sync_copy(g0, y0_hbm.at[pl.ds(b, CMB_CHUNK)])
        pltpu.sync_copy(g1, y1_hbm.at[pl.ds(b, CMB_CHUNK)])
        return carry

    lax.fori_loop(0, TOK_PER_W // CMB_CHUNK, chunk, 0)


WSUM_CHUNK = 256


def _wsum_body(y0_ref, y1_ref, w0_ref, w1_ref, o_ref):
    o_ref[...] = (w0_ref[...] * y0_ref[...] + w1_ref[...] * y1_ref[...])


def _wsum(y0, y1, w0, w1):
    return pl.pallas_call(
        _wsum_body,
        grid=(N_TOK // WSUM_CHUNK,),
        in_specs=[
            pl.BlockSpec((WSUM_CHUNK, N_EMBD), lambda i: (i, 0)),
            pl.BlockSpec((WSUM_CHUNK, N_EMBD), lambda i: (i, 0)),
            pl.BlockSpec((WSUM_CHUNK, 1), lambda i: (i, 0)),
            pl.BlockSpec((WSUM_CHUNK, 1), lambda i: (i, 0)),
        ],
        out_specs=pl.BlockSpec((WSUM_CHUNK, N_EMBD), lambda i: (i, 0)),
        out_shape=jax.ShapeDtypeStruct((N_TOK, N_EMBD), jnp.float32),
    )(y0, y1, w0, w1)


def kernel(X, Wg, W1, b1, W2, b2):
    Bx, Tx, C = X.shape
    x_flat = X.reshape(-1, C)

    e0, e1, w0, w1, r0, r1, cnt = _gate(x_flat, Wg)
    e0 = e0.reshape(N_TOK)
    e1 = e1.reshape(N_TOK)
    counts = cnt.reshape(EXPERTS).astype(jnp.int32)

    padded = ((counts + ROW_TILE - 1) // ROW_TILE) * ROW_TILE
    base = jnp.concatenate(
        [jnp.zeros((1,), jnp.int32), jnp.cumsum(padded)[:-1]])
    pos0 = base[e0] + r0.reshape(N_TOK)
    pos1 = base[e1] + r1.reshape(N_TOK)
    tile_starts = jnp.arange(NUM_TILES, dtype=jnp.int32) * ROW_TILE
    tile_e = (jnp.searchsorted(base, tile_starts, side="right")
              .astype(jnp.int32) - 1)

    xe = _dispatch(x_flat, pos0, pos1)
    y = _ffn(tile_e, xe, W1.astype(jnp.bfloat16),
             b1.reshape(EXPERTS, 1, EXPERT_DIM),
             W2.astype(jnp.bfloat16),
             b2.reshape(EXPERTS, 1, N_EMBD))
    y0, y1 = _gather2(y, pos0, pos1)
    out = _wsum(y0, y1, w0, w1)
    return out.reshape(Bx, Tx, C)

# --- scband reference (transcript-rebuilt; emitter-appended) ---
"""Pipeline reference for scband-token-choice-12223476924649 (READ-ONLY COPY).

The authoritative reference and input builder live on the scoring server;
editing this copy changes nothing except your own understanding.
"""

import jax, jax.numpy as jnp
import numpy as np

N_EMBD = 1024
EXPERTS = 8
EXPERT_DIM = 2048
TOP_K = 2
B, T = 2, 2048


def setup_inputs(seed: int = 0) -> dict:
    key = jax.random.key(seed)
    ks = jax.random.split(key, 6)
    X = jax.random.normal(ks[0], (B, T, N_EMBD), dtype=jnp.float32)
    Wg = jax.random.normal(ks[1], (N_EMBD, EXPERTS), dtype=jnp.float32) * 0.02
    W1 = jax.random.normal(ks[2], (EXPERTS, N_EMBD, EXPERT_DIM), dtype=jnp.float32) * 0.02
    b1 = jnp.zeros((EXPERTS, EXPERT_DIM), dtype=jnp.float32)
    W2 = jax.random.normal(ks[3], (EXPERTS, EXPERT_DIM, N_EMBD), dtype=jnp.float32) * 0.02
    b2 = jnp.zeros((EXPERTS, N_EMBD), dtype=jnp.float32)
    return {"X": X, "Wg": Wg, "W1": W1, "b1": b1, "W2": W2, "b2": b2}


def reference(X, Wg, W1, b1, W2, b2):
    Bx, Tx, C = X.shape
    x_flat = X.reshape(-1, C)
    # router gate
    logits = x_flat @ Wg                      # [N, E]
    top_v, top_i = jax.lax.top_k(logits, TOP_K)   # [N, k]
    gate_wei = jax.nn.softmax(top_v, axis=-1)     # [N, k]
    out = jnp.zeros_like(x_flat)
    for e in range(EXPERTS):
        sel = (top_i == e).astype(x_flat.dtype)   # [N, k]
        w_e = jnp.sum(gate_wei * sel, axis=-1, keepdims=True)  # [N, 1]
        h = jax.nn.gelu(x_flat @ W1[e] + b1[e])
        y = h @ W2[e] + b2[e]                     # [N, C]
        out = out + w_e * y
    return out.reshape(Bx, Tx, C)

if __name__ == "__main__":
    import jax
    _d = setup_inputs()
    print(jax.jit(kernel)(*tuple(_d.values())))

</pallas_src>

<mosaic_0001>
#map = affine_map<(d0, d1) -> (0, 0)>
#map1 = affine_map<(d0, d1) -> (0)>
module attributes {stable_mosaic.version = 14 : i64} {
  func.func @_gather2(%arg0: i32, %arg1: i32, %arg2: memref<9216x1024xf32, #tpu.memory_space<hbm>>, %arg3: memref<4096xi32, #tpu.memory_space<hbm>>, %arg4: memref<4096xi32, #tpu.memory_space<hbm>>, %arg5: memref<4096x1024xf32, #tpu.memory_space<hbm>>, %arg6: memref<4096x1024xf32, #tpu.memory_space<hbm>>, %arg7: memref<32x1024xf32, #tpu.memory_space<vmem>>, %arg8: memref<32x1024xf32, #tpu.memory_space<vmem>>, %arg9: memref<32xi32, #tpu.memory_space<vmem>>, %arg10: memref<32xi32, #tpu.memory_space<vmem>>, %arg11: memref<!tpu.dma_semaphore, #tpu.memory_space<semaphore_mem>>) attributes {dimension_semantics = [#tpu.dimension_semantics<core_parallel>, #tpu.dimension_semantics<subcore_parallel>], iteration_bounds = array<i64: 2, 16>, scalar_prefetch = 0 : i64, scratch_operands = 5 : i64, tpu.core_type = #tpu.core_type<sc_vector_subcore>, window_params = [{transform_indices = #map}, {transform_indices = #map1}, {transform_indices = #map1}, {transform_indices = #map}, {transform_indices = #map}]} {
    %mul3A = arith.constant 2 : i32
    %mul3A_0 = arith.muli %arg1, %mul3A : i32
    %add3A = arith.addi %mul3A_0, %arg0 : i32
    %mul3A_1 = arith.constant 128 : i32
    %mul3A_2 = arith.muli %add3A, %mul3A_1 : i32
    %scan3A = arith.constant 0 : i32
    %scan3A_3 = arith.constant 0 : i32
    %scan3A_4 = arith.constant 4 : i32
    %scan3A_5 = arith.addi %scan3A_3, %scan3A_4 : i32
    %scan3A_6 = arith.constant 1 : i32
    scf.for %scan3A_8 = %scan3A_3 to %scan3A_5 step %scan3A_6  : i32 {
      %mul3A_9 = arith.constant 32 : i32
      %mul3A_10 = arith.muli %scan3A_8, %mul3A_9 : i32
      %add3A_11 = arith.addi %mul3A_2, %mul3A_10 : i32
      "tpu.region"() ({
        %run_scoped3A = tpu.sem_alloc : memref<!tpu.dma_semaphore, #tpu.memory_space<semaphore_mem>>
        %dma_start3A_22 = tpu.memref_slice %arg3[%add3A_11] : memref<4096xi32, #tpu.memory_space<hbm>> -> memref<32xi32, #tpu.memory_space<hbm>>
        %dma_start3A_23 = tpu.memref_slice %arg3[%add3A_11] : memref<4096xi32, #tpu.memory_space<hbm>> -> memref<32xi32, #tpu.memory_space<hbm>>
        tpu.enqueue_dma source(%dma_start3A_23 : memref<32xi32, #tpu.memory_space<hbm>>) target(%arg9 : memref<32xi32, #tpu.memory_space<vmem>>) target_semaphore(%run_scoped3A : memref<!tpu.dma_semaphore, #tpu.memory_space<semaphore_mem>>)
        %dma_wait3A_24 = tpu.memref_slice %arg3[%add3A_11] : memref<4096xi32, #tpu.memory_space<hbm>> -> memref<32xi32, #tpu.memory_space<hbm>>
        %dma_wait3A_25 = tpu.memref_slice %arg3[%add3A_11] : memref<4096xi32, #tpu.memory_space<hbm>> -> memref<32xi32, #tpu.memory_space<hbm>>
        tpu.wait_dma2 semaphore(%run_scoped3A : memref<!tpu.dma_semaphore, #tpu.memory_space<semaphore_mem>>) src(%dma_wait3A_25 : memref<32xi32, #tpu.memory_space<hbm>>) dst(%arg9 : memref<32xi32, #tpu.memory_space<vmem>>)
        tpu.yield
      }) : () -> ()
      "tpu.region"() ({
        %run_scoped3A = tpu.sem_alloc : memref<!tpu.dma_semaphore, #tpu.memory_space<semaphore_mem>>
        %dma_start3A_22 = tpu.memref_slice %arg4[%add3A_11] : memref<4096xi32, #tpu.memory_space<hbm>> -> memref<32xi32, #tpu.memory_space<hbm>>
        %dma_start3A_23 = tpu.memref_slice %arg4[%add3A_11] : memref<4096xi32, #tpu.memory_space<hbm>> -> memref<32xi32, #tpu.memory_space<hbm>>
        tpu.enqueue_dma source(%dma_start3A_23 : memref<32xi32, #tpu.memory_space<hbm>>) target(%arg10 : memref<32xi32, #tpu.memory_space<vmem>>) target_semaphore(%run_scoped3A : memref<!tpu.dma_semaphore, #tpu.memory_space<semaphore_mem>>)
        %dma_wait3A_24 = tpu.memref_slice %arg4[%add3A_11] : memref<4096xi32, #tpu.memory_space<hbm>> -> memref<32xi32, #tpu.memory_space<hbm>>
        %dma_wait3A_25 = tpu.memref_slice %arg4[%add3A_11] : memref<4096xi32, #tpu.memory_space<hbm>> -> memref<32xi32, #tpu.memory_space<hbm>>
        tpu.wait_dma2 semaphore(%run_scoped3A : memref<!tpu.dma_semaphore, #tpu.memory_space<semaphore_mem>>) src(%dma_wait3A_25 : memref<32xi32, #tpu.memory_space<hbm>>) dst(%arg10 : memref<32xi32, #tpu.memory_space<vmem>>)
        tpu.yield
      }) : () -> ()
      %dma_start3A = arith.constant 0 : i32
      %dma_start3A_12 = arith.constant 0 : i32
      %dma_start3A_13 = tpu.memref_slice %arg2[%dma_start3A, %dma_start3A_12] : memref<9216x1024xf32, #tpu.memory_space<hbm>> -> memref<9216x1024xf32, #tpu.memory_space<hbm>>
      tpu.enqueue_indirect_dma source(%dma_start3A_13 : memref<9216x1024xf32, #tpu.memory_space<hbm>>) target(%arg7 : memref<32x1024xf32, #tpu.memory_space<vmem>>) offsets(%arg9 : memref<32xi32, #tpu.memory_space<vmem>>) semaphore(%arg11 : memref<!tpu.dma_semaphore, #tpu.memory_space<semaphore_mem>>)
      %dma_start3A_14 = arith.constant 0 : i32
      %dma_start3A_15 = arith.constant 0 : i32
      %dma_start3A_16 = tpu.memref_slice %arg2[%dma_start3A_14, %dma_start3A_15] : memref<9216x1024xf32, #tpu.memory_space<hbm>> -> memref<9216x1024xf32, #tpu.memory_space<hbm>>
      tpu.enqueue_indirect_dma source(%dma_start3A_16 : memref<9216x1024xf32, #tpu.memory_space<hbm>>) target(%arg8 : memref<32x1024xf32, #tpu.memory_space<vmem>>) offsets(%arg10 : memref<32xi32, #tpu.memory_space<vmem>>) semaphore(%arg11 : memref<!tpu.dma_semaphore, #tpu.memory_space<semaphore_mem>>)
      %dma_wait3A = arith.constant 0 : i32
      %dma_wait3A_17 = arith.constant 0 : i32
      %dma_wait3A_18 = tpu.memref_slice %arg2[%dma_wait3A, %dma_wait3A_17] : memref<9216x1024xf32, #tpu.memory_space<hbm>> -> memref<9216x1024xf32, #tpu.memory_space<hbm>>
      tpu.wait_indirect_dma semaphore(%arg11 : memref<!tpu.dma_semaphore, #tpu.memory_space<semaphore_mem>>) src(%dma_wait3A_18 : memref<9216x1024xf32, #tpu.memory_space<hbm>>) dst(%arg7 : memref<32x1024xf32, #tpu.memory_space<vmem>>)
      %dma_wait3A_19 = arith.constant 0 : i32
      %dma_wait3A_20 = arith.constant 0 : i32
      %dma_wait3A_21 = tpu.memref_slice %arg2[%dma_wait3A_19, %dma_wait3A_20] : memref<9216x1024xf32, #tpu.memory_space<hbm>> -> memref<9216x1024xf32, #tpu.memory_space<hbm>>
      tpu.wait_indirect_dma semaphore(%arg11 : memref<!tpu.dma_semaphore, #tpu.memory_space<semaphore_mem>>) src(%dma_wait3A_21 : memref<9216x1024xf32, #tpu.memory_space<hbm>>) dst(%arg8 : memref<32x1024xf32, #tpu.memory_space<vmem>>)
      "tpu.region"() ({
        %run_scoped3A = tpu.sem_alloc : memref<!tpu.dma_semaphore, #tpu.memory_space<semaphore_mem>>
        %dma_start3A_22 = arith.constant 0 : i32
        %dma_start3A_23 = tpu.memref_slice %arg5[%add3A_11, %dma_start3A_22] : memref<4096x1024xf32, #tpu.memory_space<hbm>> -> memref<32x1024xf32, #tpu.memory_space<hbm>>
        %dma_start3A_24 = arith.constant 0 : i32
        %dma_start3A_25 = tpu.memref_slice %arg5[%add3A_11, %dma_start3A_24] : memref<4096x1024xf32, #tpu.memory_space<hbm>> -> memref<32x1024xf32, #tpu.memory_space<hbm>>
        tpu.enqueue_dma source(%arg7 : memref<32x1024xf32, #tpu.memory_space<vmem>>) target(%dma_start3A_25 : memref<32x1024xf32, #tpu.memory_space<hbm>>) target_semaphore(%run_scoped3A : memref<!tpu.dma_semaphore, #tpu.memory_space<semaphore_mem>>)
        %dma_wait3A_26 = arith.constant 0 : i32
        %dma_wait3A_27 = tpu.memref_slice %arg5[%add3A_11, %dma_wait3A_26] : memref<4096x1024xf32, #tpu.memory_space<hbm>> -> memref<32x1024xf32, #tpu.memory_space<hbm>>
        %dma_wait3A_28 = arith.constant 0 : i32
        %dma_wait3A_29 = tpu.memref_slice %arg5[%add3A_11, %dma_wait3A_28] : memref<4096x1024xf32, #tpu.memory_space<hbm>> -> memref<32x1024xf32, #tpu.memory_space<hbm>>
        tpu.wait_dma2 semaphore(%run_scoped3A : memref<!tpu.dma_semaphore, #tpu.memory_space<semaphore_mem>>) src(%arg7 : memref<32x1024xf32, #tpu.memory_space<vmem>>) dst(%dma_wait3A_29 : memref<32x1024xf32, #tpu.memory_space<hbm>>)
        tpu.yield
      }) : () -> ()
      "tpu.region"() ({
        %run_scoped3A = tpu.sem_alloc : memref<!tpu.dma_semaphore, #tpu.memory_space<semaphore_mem>>
        %dma_start3A_22 = arith.constant 0 : i32
        %dma_start3A_23 = tpu.memref_slice %arg6[%add3A_11, %dma_start3A_22] : memref<4096x1024xf32, #tpu.memory_space<hbm>> -> memref<32x1024xf32, #tpu.memory_space<hbm>>
        %dma_start3A_24 = arith.constant 0 : i32
        %dma_start3A_25 = tpu.memref_slice %arg6[%add3A_11, %dma_start3A_24] : memref<4096x1024xf32, #tpu.memory_space<hbm>> -> memref<32x1024xf32, #tpu.memory_space<hbm>>
        tpu.enqueue_dma source(%arg8 : memref<32x1024xf32, #tpu.memory_space<vmem>>) target(%dma_start3A_25 : memref<32x1024xf32, #tpu.memory_space<hbm>>) target_semaphore(%run_scoped3A : memref<!tpu.dma_semaphore, #tpu.memory_space<semaphore_mem>>)
        %dma_wait3A_26 = arith.constant 0 : i32
        %dma_wait3A_27 = tpu.memref_slice %arg6[%add3A_11, %dma_wait3A_26] : memref<4096x1024xf32, #tpu.memory_space<hbm>> -> memref<32x1024xf32, #tpu.memory_space<hbm>>
        %dma_wait3A_28 = arith.constant 0 : i32
        %dma_wait3A_29 = tpu.memref_slice %arg6[%add3A_11, %dma_wait3A_28] : memref<4096x1024xf32, #tpu.memory_space<hbm>> -> memref<32x1024xf32, #tpu.memory_space<hbm>>
        tpu.wait_dma2 semaphore(%run_scoped3A : memref<!tpu.dma_semaphore, #tpu.memory_space<semaphore_mem>>) src(%arg8 : memref<32x1024xf32, #tpu.memory_space<vmem>>) dst(%dma_wait3A_29 : memref<32x1024xf32, #tpu.memory_space<hbm>>)
        tpu.yield
      }) : () -> ()
    }
    %scan3A_7 = arith.constant 4 : i32
    return
  }
}

#map = affine_map<(d0, d1) -> (0, 0)>
#map1 = affine_map<(d0, d1) -> (0)>
module attributes {stable_mosaic.version = 14 : i64} {
  func.func @_dispatch(%arg0: i32, %arg1: i32, %arg2: memref<4096x1024xf32, #tpu.memory_space<hbm>>, %arg3: memref<4096xi32, #tpu.memory_space<hbm>>, %arg4: memref<4096xi32, #tpu.memory_space<hbm>>, %arg5: memref<9216x1024xf32, #tpu.memory_space<hbm>>, %arg6: memref<64x1024xf32, #tpu.memory_space<vmem>>, %arg7: memref<64xi32, #tpu.memory_space<vmem>>, %arg8: memref<64xi32, #tpu.memory_space<vmem>>, %arg9: memref<!tpu.dma_semaphore, #tpu.memory_space<semaphore_mem>>) attributes {dimension_semantics = [#tpu.dimension_semantics<core_parallel>, #tpu.dimension_semantics<subcore_parallel>], iteration_bounds = array<i64: 2, 16>, scalar_prefetch = 0 : i64, scratch_operands = 4 : i64, tpu.core_type = #tpu.core_type<sc_vector_subcore>, window_params = [{transform_indices = #map}, {transform_indices = #map1}, {transform_indices = #map1}, {transform_indices = #map}]} {
    %mul3A = arith.constant 2 : i32
    %mul3A_0 = arith.muli %arg1, %mul3A : i32
    %add3A = arith.addi %mul3A_0, %arg0 : i32
    %mul3A_1 = arith.constant 128 : i32
    %mul3A_2 = arith.muli %add3A, %mul3A_1 : i32
    %scan3A = arith.constant 0 : i32
    %scan3A_3 = arith.constant 0 : i32
    %scan3A_4 = arith.constant 2 : i32
    %scan3A_5 = arith.addi %scan3A_3, %scan3A_4 : i32
    %scan3A_6 = arith.constant 1 : i32
    scf.for %scan3A_8 = %scan3A_3 to %scan3A_5 step %scan3A_6  : i32 {
      %mul3A_9 = arith.constant 64 : i32
      %mul3A_10 = arith.muli %scan3A_8, %mul3A_9 : i32
      %add3A_11 = arith.addi %mul3A_2, %mul3A_10 : i32
      "tpu.region"() ({
        %run_scoped3A = tpu.sem_alloc : memref<!tpu.dma_semaphore, #tpu.memory_space<semaphore_mem>>
        %dma_start3A_22 = arith.constant 0 : i32
        %dma_start3A_23 = tpu.memref_slice %arg2[%add3A_11, %dma_start3A_22] : memref<4096x1024xf32, #tpu.memory_space<hbm>> -> memref<64x1024xf32, #tpu.memory_space<hbm>>
        %dma_start3A_24 = arith.constant 0 : i32
        %dma_start3A_25 = tpu.memref_slice %arg2[%add3A_11, %dma_start3A_24] : memref<4096x1024xf32, #tpu.memory_space<hbm>> -> memref<64x1024xf32, #tpu.memory_space<hbm>>
        tpu.enqueue_dma source(%dma_start3A_25 : memref<64x1024xf32, #tpu.memory_space<hbm>>) target(%arg6 : memref<64x1024xf32, #tpu.memory_space<vmem>>) target_semaphore(%run_scoped3A : memref<!tpu.dma_semaphore, #tpu.memory_space<semaphore_mem>>)
        %dma_wait3A_26 = arith.constant 0 : i32
        %dma_wait3A_27 = tpu.memref_slice %arg2[%add3A_11, %dma_wait3A_26] : memref<4096x1024xf32, #tpu.memory_space<hbm>> -> memref<64x1024xf32, #tpu.memory_space<hbm>>
        %dma_wait3A_28 = arith.constant 0 : i32
        %dma_wait3A_29 = tpu.memref_slice %arg2[%add3A_11, %dma_wait3A_28] : memref<4096x1024xf32, #tpu.memory_space<hbm>> -> memref<64x1024xf32, #tpu.memory_space<hbm>>
        tpu.wait_dma2 semaphore(%run_scoped3A : memref<!tpu.dma_semaphore, #tpu.memory_space<semaphore_mem>>) src(%dma_wait3A_29 : memref<64x1024xf32, #tpu.memory_space<hbm>>) dst(%arg6 : memref<64x1024xf32, #tpu.memory_space<vmem>>)
        tpu.yield
      }) : () -> ()
      "tpu.region"() ({
        %run_scoped3A = tpu.sem_alloc : memref<!tpu.dma_semaphore, #tpu.memory_space<semaphore_mem>>
        %dma_start3A_22 = tpu.memref_slice %arg3[%add3A_11] : memref<4096xi32, #tpu.memory_space<hbm>> -> memref<64xi32, #tpu.memory_space<hbm>>
        %dma_start3A_23 = tpu.memref_slice %arg3[%add3A_11] : memref<4096xi32, #tpu.memory_space<hbm>> -> memref<64xi32, #tpu.memory_space<hbm>>
        tpu.enqueue_dma source(%dma_start3A_23 : memref<64xi32, #tpu.memory_space<hbm>>) target(%arg7 : memref<64xi32, #tpu.memory_space<vmem>>) target_semaphore(%run_scoped3A : memref<!tpu.dma_semaphore, #tpu.memory_space<semaphore_mem>>)
        %dma_wait3A_24 = tpu.memref_slice %arg3[%add3A_11] : memref<4096xi32, #tpu.memory_space<hbm>> -> memref<64xi32, #tpu.memory_space<hbm>>
        %dma_wait3A_25 = tpu.memref_slice %arg3[%add3A_11] : memref<4096xi32, #tpu.memory_space<hbm>> -> memref<64xi32, #tpu.memory_space<hbm>>
        tpu.wait_dma2 semaphore(%run_scoped3A : memref<!tpu.dma_semaphore, #tpu.memory_space<semaphore_mem>>) src(%dma_wait3A_25 : memref<64xi32, #tpu.memory_space<hbm>>) dst(%arg7 : memref<64xi32, #tpu.memory_space<vmem>>)
        tpu.yield
      }) : () -> ()
      "tpu.region"() ({
        %run_scoped3A = tpu.sem_alloc : memref<!tpu.dma_semaphore, #tpu.memory_space<semaphore_mem>>
        %dma_start3A_22 = tpu.memref_slice %arg4[%add3A_11] : memref<4096xi32, #tpu.memory_space<hbm>> -> memref<64xi32, #tpu.memory_space<hbm>>
        %dma_start3A_23 = tpu.memref_slice %arg4[%add3A_11] : memref<4096xi32, #tpu.memory_space<hbm>> -> memref<64xi32, #tpu.memory_space<hbm>>
        tpu.enqueue_dma source(%dma_start3A_23 : memref<64xi32, #tpu.memory_space<hbm>>) target(%arg8 : memref<64xi32, #tpu.memory_space<vmem>>) target_semaphore(%run_scoped3A : memref<!tpu.dma_semaphore, #tpu.memory_space<semaphore_mem>>)
        %dma_wait3A_24 = tpu.memref_slice %arg4[%add3A_11] : memref<4096xi32, #tpu.memory_space<hbm>> -> memref<64xi32, #tpu.memory_space<hbm>>
        %dma_wait3A_25 = tpu.memref_slice %arg4[%add3A_11] : memref<4096xi32, #tpu.memory_space<hbm>> -> memref<64xi32, #tpu.memory_space<hbm>>
        tpu.wait_dma2 semaphore(%run_scoped3A : memref<!tpu.dma_semaphore, #tpu.memory_space<semaphore_mem>>) src(%dma_wait3A_25 : memref<64xi32, #tpu.memory_space<hbm>>) dst(%arg8 : memref<64xi32, #tpu.memory_space<vmem>>)
        tpu.yield
      }) : () -> ()
      %dma_start3A = arith.constant 0 : i32
      %dma_start3A_12 = arith.constant 0 : i32
      %dma_start3A_13 = tpu.memref_slice %arg5[%dma_start3A, %dma_start3A_12] : memref<9216x1024xf32, #tpu.memory_space<hbm>> -> memref<9216x1024xf32, #tpu.memory_space<hbm>>
      tpu.enqueue_indirect_dma source(%arg6 : memref<64x1024xf32, #tpu.memory_space<vmem>>) target(%dma_start3A_13 : memref<9216x1024xf32, #tpu.memory_space<hbm>>) offsets(%arg7 : memref<64xi32, #tpu.memory_space<vmem>>) semaphore(%arg9 : memref<!tpu.dma_semaphore, #tpu.memory_space<semaphore_mem>>)
      %dma_start3A_14 = arith.constant 0 : i32
      %dma_start3A_15 = arith.constant 0 : i32
      %dma_start3A_16 = tpu.memref_slice %arg5[%dma_start3A_14, %dma_start3A_15] : memref<9216x1024xf32, #tpu.memory_space<hbm>> -> memref<9216x1024xf32, #tpu.memory_space<hbm>>
      tpu.enqueue_indirect_dma source(%arg6 : memref<64x1024xf32, #tpu.memory_space<vmem>>) target(%dma_start3A_16 : memref<9216x1024xf32, #tpu.memory_space<hbm>>) offsets(%arg8 : memref<64xi32, #tpu.memory_space<vmem>>) semaphore(%arg9 : memref<!tpu.dma_semaphore, #tpu.memory_space<semaphore_mem>>)
      %dma_wait3A = arith.constant 0 : i32
      %dma_wait3A_17 = arith.constant 0 : i32
      %dma_wait3A_18 = tpu.memref_slice %arg5[%dma_wait3A, %dma_wait3A_17] : memref<9216x1024xf32, #tpu.memory_space<hbm>> -> memref<9216x1024xf32, #tpu.memory_space<hbm>>
      tpu.wait_indirect_dma semaphore(%arg9 : memref<!tpu.dma_semaphore, #tpu.memory_space<semaphore_mem>>) src(%arg6 : memref<64x1024xf32, #tpu.memory_space<vmem>>) dst(%dma_wait3A_18 : memref<9216x1024xf32, #tpu.memory_space<hbm>>)
      %dma_wait3A_19 = arith.constant 0 : i32
      %dma_wait3A_20 = arith.constant 0 : i32
      %dma_wait3A_21 = tpu.memref_slice %arg5[%dma_wait3A_19, %dma_wait3A_20] : memref<9216x1024xf32, #tpu.memory_space<hbm>> -> memref<9216x1024xf32, #tpu.memory_space<hbm>>
      tpu.wait_indirect_dma semaphore(%arg9 : memref<!tpu.dma_semaphore, #tpu.memory_space<semaphore_mem>>) src(%arg6 : memref<64x1024xf32, #tpu.memory_space<vmem>>) dst(%dma_wait3A_21 : memref<9216x1024xf32, #tpu.memory_space<hbm>>)
    }
    %scan3A_7 = arith.constant 2 : i32
    return
  }
}

module attributes {stable_mosaic.version = 14 : i64} {
  func.func @_gate_body(%arg0: i32, %arg1: memref<256x1024xf32, #tpu.memory_space<vmem>>, %arg2: memref<1024x8xf32, #tpu.memory_space<vmem>>, %arg3: memref<256x1xi32, #tpu.memory_space<vmem>>, %arg4: memref<256x1xi32, #tpu.memory_space<vmem>>, %arg5: memref<256x1xf32, #tpu.memory_space<vmem>>, %arg6: memref<256x1xf32, #tpu.memory_space<vmem>>, %arg7: memref<256x1xi32, #tpu.memory_space<vmem>>, %arg8: memref<256x1xi32, #tpu.memory_space<vmem>>, %arg9: memref<1x8xf32, #tpu.memory_space<vmem>>, %arg10: memref<1x8xf32, #tpu.memory_space<vmem>>) attributes {dimension_semantics = [#tpu.dimension_semantics<arbitrary>], iteration_bounds = array<i64: 16>, scalar_prefetch = 0 : i64, scratch_operands = 1 : i64, tpu.core_type = #tpu.core_type<tc>, window_params = [{transform_indices = @transform_0, window_bounds = array<i64: 256, 1024>}, {pipeline_mode = #tpu.pipeline_mode<synchronous>, transform_indices = @transform_1, window_bounds = array<i64: 1024, 8>}, {transform_indices = @transform_2, window_bounds = array<i64: 256, 1>}, {transform_indices = @transform_3, window_bounds = array<i64: 256, 1>}, {transform_indices = @transform_4, window_bounds = array<i64: 256, 1>}, {transform_indices = @transform_5, window_bounds = array<i64: 256, 1>}, {transform_indices = @transform_6, window_bounds = array<i64: 256, 1>}, {transform_indices = @transform_7, window_bounds = array<i64: 256, 1>}, {pipeline_mode = #tpu.pipeline_mode<synchronous>, transform_indices = @transform_8, window_bounds = array<i64: 1, 8>}]} {
    %eq3A = arith.constant 0 : i32
    %eq3A_0 = arith.cmpi eq, %arg0, %eq3A : i32
    %convert_element_type3A = arith.extui %eq3A_0 : i1 to i32
    %cond3A = arith.constant 0 : i32
    %cond3A_1 = arith.cmpi ne, %convert_element_type3A, %cond3A : i32
    scf.if %cond3A_1 {
      %broadcast_in_dim3A_91 = arith.constant 0.000000e+00 : f32
      %broadcast_in_dim3A_92 = vector.broadcast %broadcast_in_dim3A_91 : f32 to vector<1x8xf32>
      %swap3A_93 = arith.constant 0 : index
      %swap3A_94 = arith.constant 0 : index
      %swap3A_95 = vector.load %arg10[%swap3A_93, %swap3A_94] : memref<1x8xf32, #tpu.memory_space<vmem>>, vector<1x8xf32>
      tpu.vector_store %arg10[%swap3A_93, %swap3A_94], %broadcast_in_dim3A_92 {strides = array<i32>} : memref<1x8xf32, #tpu.memory_space<vmem>>, vector<1x8xf32>,
    } else {
    }
    %get3A = arith.constant 0 : index
    %get3A_2 = arith.constant 0 : index
    %get3A_3 = vector.load %arg1[%get3A, %get3A_2] : memref<256x1024xf32, #tpu.memory_space<vmem>>, vector<256x1024xf32>
    %get3A_4 = arith.constant 0 : index
    %get3A_5 = arith.constant 0 : index
    %get3A_6 = vector.load %arg2[%get3A_4, %get3A_5] : memref<1024x8xf32, #tpu.memory_space<vmem>>, vector<1024x8xf32>
    %dot_general3A = arith.constant dense<0.000000e+00> : vector<256x8xf32>
    %dot_general3A_7 = tpu.matmul %get3A_3, %get3A_6, %dot_general3A {dimension_numbers = #tpu.dot_dimension_numbers<[1], [0], [0], [1], [0, 0, 1, 1], [], []>, transpose_lhs_hint = false} : vector<256x1024xf32>, vector<1024x8xf32>, vector<256x8xf32> -> vector<256x8xf32>
    %iota3A = tpu.iota {dimensions = array<i32: 1>} : vector<256x8xi32>
    %reduce_max3A = arith.constant dense<0xFF800000> : vector<256xf32>
    %reduce_max3A_8 = vector.multi_reduction <maximumf>, %dot_general3A_7, %reduce_max3A [1] : vector<256x8xf32> to vector<256xf32>
    %broadcast_in_dim3A = vector.shape_cast %reduce_max3A_8 : vector<256xf32> to vector<256x1xf32>
    %eq3A_9 = vector.broadcast %broadcast_in_dim3A : vector<256x1xf32> to vector<256x8xf32>
    %eq3A_10 = arith.cmpf oeq, %dot_general3A_7, %eq3A_9 : vector<256x8xf32>
    %jit3A = arith.constant 8 : i32
    %broadcast_in_dim3A_11 = vector.broadcast %jit3A : i32 to vector<256x8xi32>
    %select_n3A = arith.select %eq3A_10, %iota3A, %broadcast_in_dim3A_11 : vector<256x8xi1>, vector<256x8xi32>
    %reduce_min3A = arith.constant dense<2147483647> : vector<256xi32>
    %reduce_min3A_12 = vector.multi_reduction <minsi>, %select_n3A, %reduce_min3A [1] : vector<256x8xi32> to vector<256xi32>
    %broadcast_in_dim3A_13 = vector.shape_cast %reduce_min3A_12 : vector<256xi32> to vector<256x1xi32>
    %eq3A_14 = vector.broadcast %broadcast_in_dim3A_13 : vector<256x1xi32> to vector<256x8xi32>
    %eq3A_15 = arith.cmpi eq, %iota3A, %eq3A_14 : vector<256x8xi32>
    %jit3A_16 = arith.constant 0xFF800000 : f32
    %broadcast_in_dim3A_17 = vector.broadcast %jit3A_16 : f32 to vector<256x8xf32>
    %select_n3A_18 = arith.select %eq3A_15, %broadcast_in_dim3A_17, %dot_general3A_7 : vector<256x8xi1>, vector<256x8xf32>
    %reduce_max3A_19 = arith.constant dense<0xFF800000> : vector<256xf32>
    %reduce_max3A_20 = vector.multi_reduction <maximumf>, %select_n3A_18, %reduce_max3A_19 [1] : vector<256x8xf32> to vector<256xf32>
    %broadcast_in_dim3A_21 = vector.shape_cast %reduce_max3A_20 : vector<256xf32> to vector<256x1xf32>
    %eq3A_22 = vector.broadcast %broadcast_in_dim3A_21 : vector<256x1xf32> to vector<256x8xf32>
    %eq3A_23 = arith.cmpf oeq, %select_n3A_18, %eq3A_22 : vector<256x8xf32>
    %jit3A_24 = arith.constant 8 : i32
    %broadcast_in_dim3A_25 = vector.broadcast %jit3A_24 : i32 to vector<256x8xi32>
    %select_n3A_26 = arith.select %eq3A_23, %iota3A, %broadcast_in_dim3A_25 : vector<256x8xi1>, vector<256x8xi32>
    %reduce_min3A_27 = arith.constant dense<2147483647> : vector<256xi32>
    %reduce_min3A_28 = vector.multi_reduction <minsi>, %select_n3A_26, %reduce_min3A_27 [1] : vector<256x8xi32> to vector<256xi32>
    %broadcast_in_dim3A_29 = vector.shape_cast %reduce_min3A_28 : vector<256xi32> to vector<256x1xi32>
    %sub3A = arith.subf %broadcast_in_dim3A_21, %broadcast_in_dim3A : vector<256x1xf32>
    %exp3A = math.exp %sub3A : vector<256x1xf32>
    %add3A = arith.constant 1.000000e+00 : f32
    %add3A_30 = vector.broadcast %add3A : f32 to vector<256x1xf32>
    %add3A_31 = arith.addf %add3A_30, %exp3A : vector<256x1xf32>
    %div3A = arith.constant 1.000000e+00 : f32
    %div3A_32 = vector.broadcast %div3A : f32 to vector<256x1xf32>
    %div3A_33 = arith.divf %div3A_32, %add3A_31 : vector<256x1xf32>
    %sub3A_34 = arith.constant 1.000000e+00 : f32
    %sub3A_35 = vector.broadcast %sub3A_34 : f32 to vector<256x1xf32>
    %sub3A_36 = arith.subf %sub3A_35, %div3A_33 : vector<256x1xf32>
    %concatenate3A = tpu.concatenate %broadcast_in_dim3A_13, %broadcast_in_dim3A_29 in 0 : vector<256x1xi32>, vector<256x1xi32> -> vector<512x1xi32>
    %iota3A_37 = tpu.iota {dimensions = array<i32: 1>} : vector<512x8xi32>
    %eq3A_38 = vector.broadcast %concatenate3A : vector<512x1xi32> to vector<512x8xi32>
    %eq3A_39 = arith.cmpi eq, %eq3A_38, %iota3A_37 : vector<512x8xi32>
    %convert_element_type3A_40 = arith.extui %eq3A_39 : vector<512x8xi1> to vector<512x8xi32>
    %convert_element_type3A_41 = arith.sitofp %convert_element_type3A_40 : vector<512x8xi32> to vector<512x8xf32>
    %iota3A_42 = tpu.iota {dimensions = array<i32: 0>} : vector<512x512xi32>
    %iota3A_43 = tpu.iota {dimensions = array<i32: 1>} : vector<512x512xi32>
    %gt3A = arith.cmpi sgt, %iota3A_42, %iota3A_43 : vector<512x512xi32>
    %convert_element_type3A_44 = arith.extui %gt3A : vector<512x512xi1> to vector<512x512xi32>
    %convert_element_type3A_45 = arith.sitofp %convert_element_type3A_44 : vector<512x512xi32> to vector<512x512xf32>
    %dot_general3A_46 = arith.constant dense<0.000000e+00> : vector<512x8xf32>
    %dot_general3A_47 = tpu.matmul %convert_element_type3A_45, %convert_element_type3A_41, %dot_general3A_46 {dimension_numbers = #tpu.dot_dimension_numbers<[1], [0], [0], [1], [0, 0, 1, 1], [], []>, transpose_lhs_hint = false} : vector<512x512xf32>, vector<512x8xf32>, vector<512x8xf32> -> vector<512x8xf32>
    %get3A_48 = arith.constant 0 : index
    %get3A_49 = arith.constant 0 : index
    %get3A_50 = vector.load %arg10[%get3A_48, %get3A_49] : memref<1x8xf32, #tpu.memory_space<vmem>>, vector<1x8xf32>
    %add3A_51 = vector.broadcast %get3A_50 : vector<1x8xf32> to vector<512x8xf32>
    %add3A_52 = arith.addf %dot_general3A_47, %add3A_51 : vector<512x8xf32>
    %mul3A = arith.mulf %add3A_52, %convert_element_type3A_41 : vector<512x8xf32>
    %reduce_sum3A = arith.constant dense<0.000000e+00> : vector<512xf32>
    %reduce_sum3A_53 = vector.multi_reduction <add>, %mul3A, %reduce_sum3A [1] : vector<512x8xf32> to vector<512xf32>
    %broadcast_in_dim3A_54 = vector.shape_cast %reduce_sum3A_53 : vector<512xf32> to vector<512x1xf32>
    %get3A_55 = arith.constant 0 : index
    %get3A_56 = arith.constant 0 : index
    %get3A_57 = vector.load %arg10[%get3A_55, %get3A_56] : memref<1x8xf32, #tpu.memory_space<vmem>>, vector<1x8xf32>
    %reduce_sum3A_58 = arith.constant dense<0.000000e+00> : vector<8xf32>
    %reduce_sum3A_59 = vector.multi_reduction <add>, %convert_element_type3A_41, %reduce_sum3A_58 [0] : vector<512x8xf32> to vector<8xf32>
    %broadcast_in_dim3A_60 = vector.shape_cast %reduce_sum3A_59 : vector<8xf32> to vector<1x8xf32>
    %add3A_61 = arith.addf %get3A_57, %broadcast_in_dim3A_60 : vector<1x8xf32>
    %swap3A = arith.constant 0 : index
    %swap3A_62 = arith.constant 0 : index
    %swap3A_63 = vector.load %arg10[%swap3A, %swap3A_62] : memref<1x8xf32, #tpu.memory_space<vmem>>, vector<1x8xf32>
    tpu.vector_store %arg10[%swap3A, %swap3A_62], %add3A_61 {strides = array<i32>} : memref<1x8xf32, #tpu.memory_space<vmem>>, vector<1x8xf32>,
    %swap3A_64 = arith.constant 0 : index
    %swap3A_65 = arith.constant 0 : index
    %swap3A_66 = vector.load %arg3[%swap3A_64, %swap3A_65] : memref<256x1xi32, #tpu.memory_space<vmem>>, vector<256x1xi32>
    tpu.vector_store %arg3[%swap3A_64, %swap3A_65], %broadcast_in_dim3A_13 {strides = array<i32>} : memref<256x1xi32, #tpu.memory_space<vmem>>, vector<256x1xi32>,
    %swap3A_67 = arith.constant 0 : index
    %swap3A_68 = arith.constant 0 : index
    %swap3A_69 = vector.load %arg4[%swap3A_67, %swap3A_68] : memref<256x1xi32, #tpu.memory_space<vmem>>, vector<256x1xi32>
    tpu.vector_store %arg4[%swap3A_67, %swap3A_68], %broadcast_in_dim3A_29 {strides = array<i32>} : memref<256x1xi32, #tpu.memory_space<vmem>>, vector<256x1xi32>,
    %swap3A_70 = arith.constant 0 : index
    %swap3A_71 = arith.constant 0 : index
    %swap3A_72 = vector.load %arg5[%swap3A_70, %swap3A_71] : memref<256x1xf32, #tpu.memory_space<vmem>>, vector<256x1xf32>
    tpu.vector_store %arg5[%swap3A_70, %swap3A_71], %div3A_33 {strides = array<i32>} : memref<256x1xf32, #tpu.memory_space<vmem>>, vector<256x1xf32>,
    %swap3A_73 = arith.constant 0 : index
    %swap3A_74 = arith.constant 0 : index
    %swap3A_75 = vector.load %arg6[%swap3A_73, %swap3A_74] : memref<256x1xf32, #tpu.memory_space<vmem>>, vector<256x1xf32>
    tpu.vector_store %arg6[%swap3A_73, %swap3A_74], %sub3A_36 {strides = array<i32>} : memref<256x1xf32, #tpu.memory_space<vmem>>, vector<256x1xf32>,
    %slice3A = vector.extract_strided_slice %broadcast_in_dim3A_54 {offsets = [0, 0], sizes = [256, 1], strides = [1, 1]} : vector<512x1xf32> to vector<256x1xf32>
    %convert_element_type3A_76 = arith.fptosi %slice3A : vector<256x1xf32> to vector<256x1xi32>
    %swap3A_77 = arith.constant 0 : index
    %swap3A_78 = arith.constant 0 : index
    %swap3A_79 = vector.load %arg7[%swap3A_77, %swap3A_78] : memref<256x1xi32, #tpu.memory_space<vmem>>, vector<256x1xi32>
    tpu.vector_store %arg7[%swap3A_77, %swap3A_78], %convert_element_type3A_76 {strides = array<i32>} : memref<256x1xi32, #tpu.memory_space<vmem>>, vector<256x1xi32>,
    %slice3A_80 = vector.extract_strided_slice %broadcast_in_dim3A_54 {offsets = [256, 0], sizes = [256, 1], strides = [1, 1]} : vector<512x1xf32> to vector<256x1xf32>
    %convert_element_type3A_81 = arith.fptosi %slice3A_80 : vector<256x1xf32> to vector<256x1xi32>
    %swap3A_82 = arith.constant 0 : index
    %swap3A_83 = arith.constant 0 : index
    %swap3A_84 = vector.load %arg8[%swap3A_82, %swap3A_83] : memref<256x1xi32, #tpu.memory_space<vmem>>, vector<256x1xi32>
    tpu.vector_store %arg8[%swap3A_82, %swap3A_83], %convert_element_type3A_81 {strides = array<i32>} : memref<256x1xi32, #tpu.memory_space<vmem>>, vector<256x1xi32>,
    %get3A_85 = arith.constant 0 : index
    %get3A_86 = arith.constant 0 : index
    %get3A_87 = vector.load %arg10[%get3A_85, %get3A_86] : memref<1x8xf32, #tpu.memory_space<vmem>>, vector<1x8xf32>
    %swap3A_88 = arith.constant 0 : index
    %swap3A_89 = arith.constant 0 : index
    %swap3A_90 = vector.load %arg9[%swap3A_88, %swap3A_89] : memref<1x8xf32, #tpu.memory_space<vmem>>, vector<1x8xf32>
    tpu.vector_store %arg9[%swap3A_88, %swap3A_89], %get3A_87 {strides = array<i32>} : memref<1x8xf32, #tpu.memory_space<vmem>>, vector<1x8xf32>,
    return
  }
  func.func @transform_0(%arg0: i32) -> (i32, i32) {
    %c0_i32 = arith.constant 0 : i32
    %c0_i32_0 = arith.constant 0 : i32
    return %arg0, %c0_i32 : i32, i32
  }
  func.func @transform_1(%arg0: i32) -> (i32, i32) {
    %c0_i32 = arith.constant 0 : i32
    %c0_i32_0 = arith.constant 0 : i32
    %c0_i32_1 = arith.constant 0 : i32
    return %c0_i32, %c0_i32_0 : i32, i32
  }
  func.func @transform_2(%arg0: i32) -> (i32, i32) {
    %c0_i32 = arith.constant 0 : i32
    %c0_i32_0 = arith.constant 0 : i32
    return %arg0, %c0_i32 : i32, i32
  }
  func.func @transform_3(%arg0: i32) -> (i32, i32) {
    %c0_i32 = arith.constant 0 : i32
    %c0_i32_0 = arith.constant 0 : i32
    return %arg0, %c0_i32 : i32, i32
  }
  func.func @transform_4(%arg0: i32) -> (i32, i32) {
    %c0_i32 = arith.constant 0 : i32
    %c0_i32_0 = arith.constant 0 : i32
    return %arg0, %c0_i32 : i32, i32
  }
  func.func @transform_5(%arg0: i32) -> (i32, i32) {
    %c0_i32 = arith.constant 0 : i32
    %c0_i32_0 = arith.constant 0 : i32
    return %arg0, %c0_i32 : i32, i32
  }
  func.func @transform_6(%arg0: i32) -> (i32, i32) {
    %c0_i32 = arith.constant 0 : i32
    %c0_i32_0 = arith.constant 0 : i32
    return %arg0, %c0_i32 : i32, i32
  }
  func.func @transform_7(%arg0: i32) -> (i32, i32) {
    %c0_i32 = arith.constant 0 : i32
    %c0_i32_0 = arith.constant 0 : i32
    return %arg0, %c0_i32 : i32, i32
  }
  func.func @transform_8(%arg0: i32) -> (i32, i32) {
    %c0_i32 = arith.constant 0 : i32
    %c0_i32_0 = arith.constant 0 : i32
    %c0_i32_1 = arith.constant 0 : i32
    return %c0_i32, %c0_i32_0 : i32, i32
  }
}

module attributes {stable_mosaic.version = 14 : i64} {
  func.func @_ffn_body(%arg0: i32, %arg1: memref<72xi32, #tpu.memory_space<smem>>, %arg2: memref<128x1024xf32, #tpu.memory_space<vmem>>, %arg3: memref<1x1024x2048xbf16, #tpu.memory_space<vmem>>, %arg4: memref<1x1x2048xf32, #tpu.memory_space<vmem>>, %arg5: memref<1x2048x1024xbf16, #tpu.memory_space<vmem>>, %arg6: memref<1x1x1024xf32, #tpu.memory_space<vmem>>, %arg7: memref<128x1024xf32, #tpu.memory_space<vmem>>) attributes {dimension_semantics = [#tpu.dimension_semantics<arbitrary>], iteration_bounds = array<i64: 72>, scalar_prefetch = 1 : i64, scratch_operands = 0 : i64, tpu.core_type = #tpu.core_type<tc>, window_params = [{transform_indices = @transform_0, window_bounds = array<i64: 128, 1024>}, {transform_indices = @transform_1, window_bounds = array<i64: 1, 1024, 2048>}, {transform_indices = @transform_2, window_bounds = array<i64: 1, 1, 2048>}, {transform_indices = @transform_3, window_bounds = array<i64: 1, 2048, 1024>}, {transform_indices = @transform_4, window_bounds = array<i64: 1, 1, 1024>}, {transform_indices = @transform_5, window_bounds = array<i64: 128, 1024>}]} {
    %get3A = arith.constant 0 : index
    %get3A_0 = arith.constant 0 : index
    %get3A_1 = vector.load %arg2[%get3A, %get3A_0] : memref<128x1024xf32, #tpu.memory_space<vmem>>, vector<128x1024xf32>
    %convert_element_type3A = arith.truncf %get3A_1 : vector<128x1024xf32> to vector<128x1024xbf16>
    %get3A_2 = arith.constant 0 : index
    %get3A_3 = arith.constant 0 : index
    %get3A_4 = arith.constant 0 : index
    %get3A_5 = vector.load %arg3[%get3A_2, %get3A_3, %get3A_4] : memref<1x1024x2048xbf16, #tpu.memory_space<vmem>>, vector<1x1024x2048xbf16>
    %get3A_6 = vector.shape_cast %get3A_5 : vector<1x1024x2048xbf16> to vector<1024x2048xbf16>
    %dot_general3A = arith.constant dense<0.000000e+00> : vector<128x2048xf32>
    %dot_general3A_7 = tpu.matmul %convert_element_type3A, %get3A_6, %dot_general3A {dimension_numbers = #tpu.dot_dimension_numbers<[1], [0], [0], [1], [0, 0, 1, 1], [], []>, transpose_lhs_hint = false} : vector<128x1024xbf16>, vector<1024x2048xbf16>, vector<128x2048xf32> -> vector<128x2048xf32>
    %get3A_8 = arith.constant 0 : index
    %get3A_9 = arith.constant 0 : index
    %get3A_10 = arith.constant 0 : index
    %get3A_11 = vector.load %arg4[%get3A_8, %get3A_9, %get3A_10] : memref<1x1x2048xf32, #tpu.memory_space<vmem>>, vector<1x1x2048xf32>
    %get3A_12 = vector.shape_cast %get3A_11 : vector<1x1x2048xf32> to vector<1x2048xf32>
    %add3A = vector.broadcast %get3A_12 : vector<1x2048xf32> to vector<128x2048xf32>
    %add3A_13 = arith.addf %dot_general3A_7, %add3A : vector<128x2048xf32>
    %integer_pow3A = arith.mulf %add3A_13, %add3A_13 : vector<128x2048xf32>
    %integer_pow3A_14 = arith.mulf %add3A_13, %integer_pow3A : vector<128x2048xf32>
    %mul3A = arith.constant 4.471500e-02 : f32
    %mul3A_15 = vector.broadcast %mul3A : f32 to vector<128x2048xf32>
    %mul3A_16 = arith.mulf %mul3A_15, %integer_pow3A_14 : vector<128x2048xf32>
    %add3A_17 = arith.addf %add3A_13, %mul3A_16 : vector<128x2048xf32>
    %mul3A_18 = arith.constant 0.797884583 : f32
    %mul3A_19 = vector.broadcast %mul3A_18 : f32 to vector<128x2048xf32>
    %mul3A_20 = arith.mulf %mul3A_19, %add3A_17 : vector<128x2048xf32>
    %tanh3A = math.tanh %mul3A_20 : vector<128x2048xf32>
    %add3A_21 = arith.constant 1.000000e+00 : f32
    %add3A_22 = vector.broadcast %add3A_21 : f32 to vector<128x2048xf32>
    %add3A_23 = arith.addf %add3A_22, %tanh3A : vector<128x2048xf32>
    %mul3A_24 = arith.constant 5.000000e-01 : f32
    %mul3A_25 = vector.broadcast %mul3A_24 : f32 to vector<128x2048xf32>
    %mul3A_26 = arith.mulf %mul3A_25, %add3A_23 : vector<128x2048xf32>
    %mul3A_27 = arith.mulf %add3A_13, %mul3A_26 : vector<128x2048xf32>
    %convert_element_type3A_28 = arith.truncf %mul3A_27 : vector<128x2048xf32> to vector<128x2048xbf16>
    %get3A_29 = arith.constant 0 : index
    %get3A_30 = arith.constant 0 : index
    %get3A_31 = arith.constant 0 : index
    %get3A_32 = vector.load %arg5[%get3A_29, %get3A_30, %get3A_31] : memref<1x2048x1024xbf16, #tpu.memory_space<vmem>>, vector<1x2048x1024xbf16>
    %get3A_33 = vector.shape_cast %get3A_32 : vector<1x2048x1024xbf16> to vector<2048x1024xbf16>
    %dot_general3A_34 = arith.constant dense<0.000000e+00> : vector<128x1024xf32>
    %dot_general3A_35 = tpu.matmul %convert_element_type3A_28, %get3A_33, %dot_general3A_34 {dimension_numbers = #tpu.dot_dimension_numbers<[1], [0], [0], [1], [0, 0, 1, 1], [], []>, transpose_lhs_hint = false} : vector<128x2048xbf16>, vector<2048x1024xbf16>, vector<128x1024xf32> -> vector<128x1024xf32>
    %get3A_36 = arith.constant 0 : index
    %get3A_37 = arith.constant 0 : index
    %get3A_38 = arith.constant 0 : index
    %get3A_39 = vector.load %arg6[%get3A_36, %get3A_37, %get3A_38] : memref<1x1x1024xf32, #tpu.memory_space<vmem>>, vector<1x1x1024xf32>
    %get3A_40 = vector.shape_cast %get3A_39 : vector<1x1x1024xf32> to vector<1x1024xf32>
    %add3A_41 = vector.broadcast %get3A_40 : vector<1x1024xf32> to vector<128x1024xf32>
    %add3A_42 = arith.addf %dot_general3A_35, %add3A_41 : vector<128x1024xf32>
    %swap3A = arith.constant 0 : index
    %swap3A_43 = arith.constant 0 : index
    %swap3A_44 = vector.load %arg7[%swap3A, %swap3A_43] : memref<128x1024xf32, #tpu.memory_space<vmem>>, vector<128x1024xf32>
    tpu.vector_store %arg7[%swap3A, %swap3A_43], %add3A_42 {strides = array<i32>} : memref<128x1024xf32, #tpu.memory_space<vmem>>, vector<128x1024xf32>,
    return
  }
  func.func @transform_0(%arg0: i32, %arg1: memref<72xi32, #tpu.memory_space<smem>>) -> (i32, i32) {
    %c0_i32 = arith.constant 0 : i32
    %c0_i32_0 = arith.constant 0 : i32
    return %arg0, %c0_i32 : i32, i32
  }
  func.func @transform_1(%arg0: i32, %arg1: memref<72xi32, #tpu.memory_space<smem>>) -> (i32, i32, i32) {
    %get3A = arith.index_cast %arg0 : i32 to index
    %get3A_0 = memref.load %arg1[%get3A] : memref<72xi32, #tpu.memory_space<smem>>
    %c0_i32 = arith.constant 0 : i32
    %c0_i32_1 = arith.constant 0 : i32
    %c0_i32_2 = arith.constant 0 : i32
    return %get3A_0, %c0_i32, %c0_i32_1 : i32, i32, i32
  }
  func.func @transform_2(%arg0: i32, %arg1: memref<72xi32, #tpu.memory_space<smem>>) -> (i32, i32, i32) {
    %get3A = arith.index_cast %arg0 : i32 to index
    %get3A_0 = memref.load %arg1[%get3A] : memref<72xi32, #tpu.memory_space<smem>>
    %c0_i32 = arith.constant 0 : i32
    %c0_i32_1 = arith.constant 0 : i32
    %c0_i32_2 = arith.constant 0 : i32
    return %get3A_0, %c0_i32, %c0_i32_1 : i32, i32, i32
  }
  func.func @transform_3(%arg0: i32, %arg1: memref<72xi32, #tpu.memory_space<smem>>) -> (i32, i32, i32) {
    %get3A = arith.index_cast %arg0 : i32 to index
    %get3A_0 = memref.load %arg1[%get3A] : memref<72xi32, #tpu.memory_space<smem>>
    %c0_i32 = arith.constant 0 : i32
    %c0_i32_1 = arith.constant 0 : i32
    %c0_i32_2 = arith.constant 0 : i32
    return %get3A_0, %c0_i32, %c0_i32_1 : i32, i32, i32
  }
  func.func @transform_4(%arg0: i32, %arg1: memref<72xi32, #tpu.memory_space<smem>>) -> (i32, i32, i32) {
    %get3A = arith.index_cast %arg0 : i32 to index
    %get3A_0 = memref.load %arg1[%get3A] : memref<72xi32, #tpu.memory_space<smem>>
    %c0_i32 = arith.constant 0 : i32
    %c0_i32_1 = arith.constant 0 : i32
    %c0_i32_2 = arith.constant 0 : i32
    return %get3A_0, %c0_i32, %c0_i32_1 : i32, i32, i32
  }
  func.func @transform_5(%arg0: i32, %arg1: memref<72xi32, #tpu.memory_space<smem>>) -> (i32, i32) {
    %c0_i32 = arith.constant 0 : i32
    %c0_i32_0 = arith.constant 0 : i32
    return %arg0, %c0_i32 : i32, i32
  }
}

module attributes {stable_mosaic.version = 14 : i64} {
  func.func @_wsum_body(%arg0: i32, %arg1: memref<256x1024xf32, #tpu.memory_space<vmem>>, %arg2: memref<256x1024xf32, #tpu.memory_space<vmem>>, %arg3: memref<256x1xf32, #tpu.memory_space<vmem>>, %arg4: memref<256x1xf32, #tpu.memory_space<vmem>>, %arg5: memref<256x1024xf32, #tpu.memory_space<vmem>>) attributes {dimension_semantics = [#tpu.dimension_semantics<arbitrary>], iteration_bounds = array<i64: 16>, scalar_prefetch = 0 : i64, scratch_operands = 0 : i64, tpu.core_type = #tpu.core_type<tc>, window_params = [{transform_indices = @transform_0, window_bounds = array<i64: 256, 1024>}, {transform_indices = @transform_1, window_bounds = array<i64: 256, 1024>}, {transform_indices = @transform_2, window_bounds = array<i64: 256, 1>}, {transform_indices = @transform_3, window_bounds = array<i64: 256, 1>}, {transform_indices = @transform_4, window_bounds = array<i64: 256, 1024>}]} {
    %get3A = arith.constant 0 : index
    %get3A_0 = arith.constant 0 : index
    %get3A_1 = vector.load %arg3[%get3A, %get3A_0] : memref<256x1xf32, #tpu.memory_space<vmem>>, vector<256x1xf32>
    %get3A_2 = arith.constant 0 : index
    %get3A_3 = arith.constant 0 : index
    %get3A_4 = vector.load %arg1[%get3A_2, %get3A_3] : memref<256x1024xf32, #tpu.memory_space<vmem>>, vector<256x1024xf32>
    %mul3A = vector.broadcast %get3A_1 : vector<256x1xf32> to vector<256x1024xf32>
    %mul3A_5 = arith.mulf %mul3A, %get3A_4 : vector<256x1024xf32>
    %get3A_6 = arith.constant 0 : index
    %get3A_7 = arith.constant 0 : index
    %get3A_8 = vector.load %arg4[%get3A_6, %get3A_7] : memref<256x1xf32, #tpu.memory_space<vmem>>, vector<256x1xf32>
    %get3A_9 = arith.constant 0 : index
    %get3A_10 = arith.constant 0 : index
    %get3A_11 = vector.load %arg2[%get3A_9, %get3A_10] : memref<256x1024xf32, #tpu.memory_space<vmem>>, vector<256x1024xf32>
    %mul3A_12 = vector.broadcast %get3A_8 : vector<256x1xf32> to vector<256x1024xf32>
    %mul3A_13 = arith.mulf %mul3A_12, %get3A_11 : vector<256x1024xf32>
    %add3A = arith.addf %mul3A_5, %mul3A_13 : vector<256x1024xf32>
    %swap3A = arith.constant 0 : index
    %swap3A_14 = arith.constant 0 : index
    %swap3A_15 = vector.load %arg5[%swap3A, %swap3A_14] : memref<256x1024xf32, #tpu.memory_space<vmem>>, vector<256x1024xf32>
    tpu.vector_store %arg5[%swap3A, %swap3A_14], %add3A {strides = array<i32>} : memref<256x1024xf32, #tpu.memory_space<vmem>>, vector<256x1024xf32>,
    return
  }
  func.func @transform_0(%arg0: i32) -> (i32, i32) {
    %c0_i32 = arith.constant 0 : i32
    %c0_i32_0 = arith.constant 0 : i32
    return %arg0, %c0_i32 : i32, i32
  }
  func.func @transform_1(%arg0: i32) -> (i32, i32) {
    %c0_i32 = arith.constant 0 : i32
    %c0_i32_0 = arith.constant 0 : i32
    return %arg0, %c0_i32 : i32, i32
  }
  func.func @transform_2(%arg0: i32) -> (i32, i32) {
    %c0_i32 = arith.constant 0 : i32
    %c0_i32_0 = arith.constant 0 : i32
    return %arg0, %c0_i32 : i32, i32
  }
  func.func @transform_3(%arg0: i32) -> (i32, i32) {
    %c0_i32 = arith.constant 0 : i32
    %c0_i32_0 = arith.constant 0 : i32
    return %arg0, %c0_i32 : i32, i32
  }
  func.func @transform_4(%arg0: i32) -> (i32, i32) {
    %c0_i32 = arith.constant 0 : i32
    %c0_i32_0 = arith.constant 0 : i32
    return %arg0, %c0_i32 : i32, i32
  }
}

</mosaic_0001>

<sc_bundles>
// kernel: kernel.10.cloned.1.call-start
scs
__scs_entry_jumppad:
0x0: {  	(pc) =	sbr.rel $0x88, $3  }
0x1: {  	(tag) =	ssettag $0x0;
	lr =	simm.s32 $0x1  }
0x2: {  	[smem:$0x3F9B] =	sst lr;
	_ =	strace $0xD0000000  }
0x3: {  	_ = 	snop  }
0x4: {  	_ = 	snop  }
0x5: {  	_ = 	snop  }
0x6: {  	_ = 	snop  }
0x7: {  	_ = 	snop  }
__scs_overlays_trampoline_lowered:
0x8: {  	[smem:$0x3FAA] =	sst s0  }
0x9: {  	[smem:$0x3FAB] =	sst s1  }
0xa: {  	[smem:$0x3FAC] =	sst s2  }
0xb: {  	[smem:$0x3FAD] =	sst s3  }
0xc: {  	[smem:$0x3FAE] =	sst s4  }
0xd: {  	[smem:$0x3FAF] =	sst s5  }
0xe: {  	[smem:$0x3FB0] =	sst s6  }
0xf: {  	[smem:$0x3FB1] =	sst s7  }
0x10: {  	[smem:$0x3FB2] =	sst s8  }
0x11: {  	[smem:$0x3FB3] =	sst s9;
	s0 =	simm.s32 @!p0 $0x0  }
0x12: {  	s1 =	sld [smem:$0x3F99];
	s0 =	simm.s32 @p0 $0x1  }
0x13: {  	[smem:$0x3FB4] =	sst s0;
	s0 =	simm.s32 @!p1 $0x0  }
0x14: {  	s2 =	sld [smem:$0x3F98];
	s0 =	simm.s32 @p1 $0x1  }
0x15: {  	[smem:$0x3FB5] =	sst s0;
	s0 =	simm.s32 @!p2 $0x0  }
0x16: {  	s3 =	sld [smem:$0x3FDB];
	s0 =	simm.s32 @p2 $0x1  }
0x17: {  	s4 =	simm.s32 $0x1BF5;
	[smem:$0x3FB7] =	sst s0  }
0x18: {  	s0 =	sld [smem:$0x3F9A];
	_ =	swait.ge [sflag:s4], $0x0  }
0x19: {  	s7 =	sld [smem:$0x3F9B]  }
0x1a: {  	s8 =	sadd.s32 $0xFFFFE003, lr  }
0x1b: {  	s9 =	sadd.s32 $0xFFFFFEF7, lr;
	s5 =	simm.s32 $0xFFFFFFFF;
	p2 =	slt.u32 s8, $0xFFFFF086  }
0x1c: {  	p1 =	slt.u32 s9, $0xF7A;
	s5 =	simm.s32 @!p2 $0x0  }
0x1d: {  	s5 =	simm.s32 @p1 $0x1;
	p0 =	seq.s32 s7, s2  }
0x1e: {  	s7 =	smul.u32 @!p0 $0xF7A, s2;
	p2 =	seq.s32 @!p0 s5, $0x0  }
0x1f: {  	s9 =	smul.u32 $0xF7A, s1;
	s8 =	simm.s32 @!p0 $0x1BF5;
	p2 =	por !p2, p0  }
0x20: {  	[sflag:s8] =	ssyncset.s32 @!p0 $0xFFFFF086;
	s6 =	sadd.s32 @!p0 s3, s7;
	s7 =	simm.s32 @!p0 $0x108  }
0x21: {  	s3 =	sadd.s32 s3, s9;
	s6 =	sadd.s32 @!p0 $0x88, s6;
	s7 =	simm.s32 @p2 $0x1082  }
0x22: {  	[simem:s7], [sflag:s8] =	dma.local @!p0 [hbm:s6], $0xF7A  }
0x23: {  	s9 =	sor.u32 $0xD0000000, s2;
	s6 =	simm.s32 $0x108;
	_ =	swait.ge @!p0 [sflag:s8], $0x0  }
0x24: {  	s3 =	sadd.s32 $0x88, s3;
	s6 =	simm.s32 @!p1 $0x1082;
	[sflag:s4] =	ssyncset.s32 $0xFFFFF086  }
0x25: {  	[simem:s6], [sflag:s4] =	dma.local [hbm:s3], $0xF7A  }
0x26: {  	[smem:$0x3F9B] =	sst s1;
	(tag) =	ssettag s2;
	_ =	strace s9  }
0x27: {  	s1 =	sld [smem:$0x3FAB]  }
0x28: {  	s2 =	sld [smem:$0x3FAC]  }
0x29: {  	s4 =	sld [smem:$0x3FAE]  }
0x2a: {  	p0 =	seq.s32 s5, $0x0;
	s5 =	sld [smem:$0x3FAF]  }
0x2b: {  	s6 =	sld [smem:$0x3FB0]  }
0x2c: {  	s7 =	sld [smem:$0x3FB1]  }
0x2d: {  	s3 =	simm.s32 $0x108;
	s8 =	sld [smem:$0x3FB2]  }
0x2e: {  	s3 =	simm.s32 @!p0 $0x1082;
	s9 =	sld [smem:$0x3FB3]  }
0x2f: {  	lr =	sadd.s32 s0, s3;
	s0 =	sld [smem:$0x3FAA]  }
0x30: {  	s3 =	sld [smem:$0x3FAD]  }
0x31: {  	[smem:$0x3FB6] =	sst s10  }
0x32: {  	s10 =	sld [smem:$0x3FB4];
	_ =	sdelay $0x3  }
0x33: {  	p0 =	seq.s32 s10, $0x1;
	s10 =	sld [smem:$0x3FB6];
	_ =	sdelay $0x3  }
0x34: {  	[smem:$0x3FB6] =	sst s10  }
0x35: {  	s10 =	sld [smem:$0x3FB5];
	_ =	sdelay $0x3  }
0x36: {  	p1 =	seq.s32 s10, $0x1;
	s10 =	sld [smem:$0x3FB6];
	_ =	sdelay $0x3  }
0x37: {  	[smem:$0x3FB6] =	sst s10  }
0x38: {  	s10 =	sld [smem:$0x3FB7]  }
0x39: {  	_ = 	snop;
	(pc) =	sbr.ind lr, $3  }
0x3a: {  	_ = 	snop  }
0x3b: {  	_ = 	snop  }
0x3c: {  	p2 =	seq.s32 s10, $0x1;
	s10 =	sld [smem:$0x3FB6]  }
0x3d: {  	_ =	shalt  }
0x3e: {  	_ =	shalt  }
0x3f: {  	_ =	shalt  }
0x40: {  	_ =	shalt  }
0x41: {  	_ =	shalt  }
0x42: {  	_ =	shalt  }
0x43: {  	_ =	shalt  }
0x44: {  	_ =	shalt  }
0x45: {  	_ =	shalt  }
0x46: {  	_ =	shalt  }
0x47: {  	_ =	shalt  }
0x48: {  	_ =	shalt  }
0x49: {  	_ =	shalt  }
0x4a: {  	_ =	shalt  }
0x4b: {  	_ =	shalt  }
0x4c: {  	_ =	shalt  }
0x4d: {  	_ =	shalt  }
0x4e: {  	_ =	shalt  }
0x4f: {  	_ =	shalt  }
0x50: {  	_ =	shalt  }
0x51: {  	_ =	shalt  }
0x52: {  	_ =	shalt  }
0x53: {  	_ =	shalt  }
0x54: {  	_ =	shalt  }
0x55: {  	_ =	shalt  }
0x56: {  	_ =	shalt  }
0x57: {  	_ =	shalt  }
0x58: {  	_ =	shalt  }
0x59: {  	_ =	shalt  }
0x5a: {  	_ =	shalt  }
0x5b: {  	_ =	shalt  }
0x5c: {  	_ =	shalt  }
0x5d: {  	_ =	shalt  }
0x5e: {  	_ =	shalt  }
0x5f: {  	_ =	shalt  }
0x60: {  	_ =	shalt  }
0x61: {  	_ =	shalt  }
0x62: {  	_ =	shalt  }
0x63: {  	_ =	shalt  }
0x64: {  	_ =	shalt  }
0x65: {  	_ =	shalt  }
0x66: {  	_ =	shalt  }
0x67: {  	_ =	shalt  }
0x68: {  	_ =	shalt  }
0x69: {  	_ =	shalt  }
0x6a: {  	_ =	shalt  }
0x6b: {  	_ =	shalt  }
0x6c: {  	_ =	shalt  }
0x6d: {  	_ =	shalt  }
0x6e: {  	_ =	shalt  }
0x6f: {  	_ =	shalt  }
0x70: {  	_ =	shalt  }
0x71: {  	_ =	shalt  }
0x72: {  	_ =	shalt  }
0x73: {  	_ =	shalt  }
0x74: {  	_ =	shalt  }
0x75: {  	_ =	shalt  }
0x76: {  	_ =	shalt  }
0x77: {  	_ =	shalt  }
0x78: {  	_ =	shalt  }
0x79: {  	_ =	shalt  }
0x7a: {  	_ =	shalt  }
0x7b: {  	_ =	shalt  }
0x7c: {  	_ =	shalt  }
0x7d: {  	_ =	shalt  }
0x7e: {  	_ =	shalt  }
0x7f: {  	_ =	shalt  }
0x80: {  	_ =	shalt  }
0x81: {  	_ =	shalt  }
0x82: {  	_ =	shalt  }
0x83: {  	_ =	shalt  }
0x84: {  	_ =	shalt  }
0x85: {  	_ =	shalt  }
0x86: {  	_ =	shalt  }
0x87: {  	_ =	shalt  }
.Lfunc_end0:
.L_simem_size_0:
called_computation.1_lowered:
.L_overlay_start_0:
0x88: {  	s2 =	sld [smem:$0x3FD9]  }
0x89: {  	s3 =	sld [smem:$0x3FFE];
	_ =	sdelay $0x1  }
0x8a: {  	s1 =	srdreg.scid  }
0x8b: {  	s0 =	sand.u32 $0x1, s1  }
0x8c: {  	s17 =	sshll.u32 s0, $0xA;
	s2 =	sadd.s32 s3, s2  }
0x8d: {  	s2 =	sadd.s32 s2, s17  }
0x8e: {  	[smem:$0x3FC2] =	sst s2  }
0x8f: {  	_ = 	snop  }
0x90: {  	s2 =	sld [smem:$0x3FD0];
	(tm) =	ssettm $0x1  }
0x91: {  	s18 =	sld [smem:$0x3FFB];
	_ =	sdelay $0x3  }
0x92: {  	_ =	strace s18  }
0x93: {  	s3 =	sld [smem:$0x3FFC];
	_ =	sdelay $0x3  }
0x94: {  	_ =	strace s3  }
0x95: {  	s3 =	sld [smem:$0x3FFD];
	_ =	sdelay $0x3  }
0x96: {  	_ =	strace s3  }
0x97: {  	_ =	strace $0x8FFFFFFF  }
0x98: {  	s19 =	sld [smem:$0x3FDB];
	_ =	sdelay $0x1  }
0x99: {  	s4 =	simm.s32 $_scs_section_size  }
0x9a: {  	s5 =	simm.s32 $_size__tile_overlayer_lowered;
	s6 =	simm.s32 $_tile_overlayer_lowered  }
0x9b: {  	s22 =	simm.s32 $0x1BFF;
	s21 =	sshll.u32 s6, $0x1;
	s3 =	sadd.s32 s4, s19  }
0x9c: {  	s7 =	simm.s32 $0x0;
	s20 =	sshll.u32 s5, $0x1;
	s5 =	sadd.s32 s21, s3  }
0x9d: {  	[timem:s7], [sflag:s22] =	dma.local [hbm:s5], s20  }
0x9e: {  	_ =	swait.ge [sflag:s22], s20  }
0x9f: {  	s4 =	ssub.s32 $0x0, s20;
	[sflag:s22] =	ssyncset.done $0x0  }
0xa0: {  	[sflag:s22] =	ssyncadd.s32 s4;
	_ =	sdelay $0x1  }
0xa1: {  	s23 =	simm.s32 $0x1B8B  }
0xa2: {  	_ =	swait.ge [sflag:s23], $0x1  }
0xa3: {  	[sflag:s23] =	ssyncset.done $0x0  }
0xa4: {  	s25 =	simm.s32 $0x1B8E;
	s24 =	sld [smem:$0x3FFE];
	[sflag:s23] =	ssyncadd.s32 $0xFFFFFFFF  }
0xa5: {  	s26 =	simm.s32 $execute0_lowered;
	[smem:$0x3FD2] =	sst s25  }
0xa6: {  	s5 =	sshll.u32 s26, $0x1;
	_ =	strace $0x80000049;
	[dreg:$0x1] =	wrdreg $0xFFFFFFFF  }
0xa7: {  	s28 =	simm.s32 $_size_execute0_lowered;
	s3 =	sadd.s32 s3, s5;
	[dreg:$0x0] =	wrdreg $0x0  }
0xa8: {  	s5 =	sshll.u32 s28, $0x1;
	[dreg:$0x2] =	wrdreg s3  }
0xa9: {  	[dreg:$0x3] =	wrdreg s5  }
0xaa: {  	[dreg:$0x4] =	wrdreg $0xC0  }
0xab: {  	_ =	task [dreg:s7], $0x5FFFF  }
0xac: {  	[dreg:$0x1] =	wrdreg $0xFFFFFFFF  }
0xad: {  	[dreg:$0x0] =	wrdreg $0x60  }
0xae: {  	[dreg:$0x2] =	wrdreg s24  }
0xaf: {  	[dreg:$0x3] =	wrdreg s2  }
0xb0: {  	[dreg:$0x4] =	wrdreg $0x9  }
0xb1: {  	_ =	task.clear_ibuf [dreg:s7], $0x5FFFF;
	_ =	strace $0x90000049  }
0xb2: {  	s29 =	simm.s32 $0x9;
	_ =	strace $0x8000004B  }
0xb3: {  	_ =	swait.ge [sflag:s29], $0x1  }
0xb4: {  	[sflag:s29] =	ssyncadd.s32 $0xFFFFFFFF  }
0xb5: {  	_ =	strace $0x9000004B  }
0xb6: {  	_ =	sfence  }
0xb7: {  	s30 =	sld [smem:$0x0];
	_ =	sdelay $0x2  }
0xb8: {  	s31 =	sshll.u32 s1, $0xD;
	s1 =	sshrl.u32 s1, $0x2  }
0xb9: {  	s3 =	sand.u32 $0x4000, s31;
	s1 =	sadd.s32 s1, s30  }
0xba: {  	s0 =	sor.u32 s3, s0;
	s1 =	sshll.u32 s1, $0x11  }
0xbb: {  	s0 =	sor.u32 s1, s0  }
0xbc: {  	s0 =	sadd.s32 $0x8F2B, s0  }
0xbd: {  	[sflag:s0] =	ssyncadd.remote.s32 $0x1  }
0xbe: {  	_ =	sfence.sel $0xFFFF  }
0xbf: {  	[dreg:$0x0] =	wrdreg $0xFFFFFFFF;
	(pc) =	sbr.abs _section_cstart, $3  }
0xc0: {  	[dreg:$0x1] =	wrdreg $0xFFFFFFFF  }
0xc1: {  	_ =	task.clear_ibuf [dreg:s7], $0x2FFFF;
	_ =	strace $0x9FFFFFFF  }
0xc2: {  	(tm) =	ssettm $0x7FFFFFFF  }
0xc3: {  	_ =	shalt  }
tec
execute0_lowered:
.L_overlay_start_1:
0x0: {  	(tag) =	ssettag $0x1  }
0x1: {  	s1 =	srdreg.scid  }
0x2: {  	s0 =	stileid.u32;
	s1 =	sand.u32 $0x1, s1  }
0x3: {  	s6 =	rddreg [dreg:$0x0];
	s2 =	sshll.u32 s0, $0x8;
	s3 =	sshll.u32 s1, $0x7  }
0x4: {  	s8 =	rddreg [dreg:$0x1];
	s3 =	sor.u32 s3, s2;
	s2 =	simm.s32 $0x0  }
0x5: {  	s12 =	simm.s32 $0x10000;
	[smem:$0x7FF] =	sst s2  }
0x6: {  	s13 =	simm.s32 $0x10080;
	_ =	strace $0x8000004A;
	[dreg:$0x5] =	wrdreg s12  }
0x7: {  	s14 =	simm.s32 $0x800;
	s15 =	simm.s32 $0x1000;
	[dreg:$0x6] =	wrdreg s13  }
0x8: {  	s16 =	simm.s32 $0x1800;
	s17 =	simm.s32 $0x2000;
	[dreg:$0x7] =	wrdreg s14  }
0x9: {  	s18 =	simm.s32 $0x2800;
	s19 =	simm.s32 $0x3000;
	[dreg:$0x8] =	wrdreg s15  }
0xa: {  	s20 =	simm.s32 $0x3800;
	s11 =	simm.s32 $0x4000;
	[dreg:$0x9] =	wrdreg s16  }
0xb: {  	s21 =	simm.s32 $0x4800;
	s22 =	simm.s32 $0x5000;
	[dreg:$0xa] =	wrdreg s17  }
0xc: {  	s24 =	simm.s32 $0x5800;
	s25 =	simm.s32 $0x6000;
	[dreg:$0xb] =	wrdreg s18  }
0xd: {  	s26 =	simm.s32 $0x6800;
	s30 =	simm.s32 $0x7000;
	[dreg:$0xc] =	wrdreg s19  }
0xe: {  	s31 =	simm.s32 $0x7800;
	s28 =	simm.s32 $0x1;
	[dreg:$0xd] =	wrdreg s20  }
0xf: {  	s29 =	simm.s32 $0x0;
	s9 =	sshll.u32 s0, $0xF;
	[dreg:$0xe] =	wrdreg s11  }
0x10: {  	s10 =	sadd.s32 s9, s6;
	s5 =	ssub.s32 $0x2, s1;
	[dreg:$0xf] =	wrdreg s21  }
0x11: {  	s8 =	sadd.s32 s9, s8;
	s1 =	sshll.u32 s1, $0xE;
	[dreg:$0x10] =	wrdreg s22  }
0x12: {  	s7 =	sshrl.u32 s5, $0x1;
	s8 =	sadd.s32 s1, s8;
	[dreg:$0x11] =	wrdreg s24  }
0x13: {  	s1 =	sadd.s32 s1, s10;
	s10 =	simm.s32 $0x2;
	[dreg:$0x12] =	wrdreg s25  }
0x14: {  	s3 =	sshrl.u32 s3, $0x3;
	s7 =	ssub.s32 s5, s7;
	[dreg:$0x13] =	wrdreg s26  }
0x15: {  	s5 =	sadd.s32 $0x340600, s6;
	s9 =	sadd.s32 $0x20400, s1;
	[dreg:$0x14] =	wrdreg s30  }
0x16: {  	s3 =	sadd.s32 s3, s6;
	s23 =	smax.u32 s7, $0x1;
	[dreg:$0x15] =	wrdreg s31  }
0x17: {  	s11 =	simm.s32 $0x8000;
	s12 =	simm.s32 $0x8800;
	s13 =	simm.s32 $0x9000  }
0x18: {  	s14 =	simm.s32 $0x9800;
	s15 =	simm.s32 $0xA000;
	s16 =	simm.s32 $0xA800  }
0x19: {  	s17 =	simm.s32 $0xB000;
	s18 =	simm.s32 $0xB800;
	s19 =	simm.s32 $0xC000  }
0x1a: {  	s20 =	simm.s32 $0xC800;
	s21 =	simm.s32 $0xD000;
	s22 =	simm.s32 $0xD800  }
0x1b: {  	s24 =	simm.s32 $0xE800;
	s25 =	simm.s32 $0xF000;
	s26 =	simm.s32 $0xF800  }
0x1c: {  	v2 =	vlaneseq.u32;
	s4 =	sadd.s32 $0x20200, s3;
	s3 =	sadd.s32 $0x20000, s3;
	[dreg:$0x16] =	wrdreg s23  }
0x1d: {  	vm0 =	vmmov $0xffff;
	v1 =	vshrl.u32 v2, $0x3;
	s23 =	simm.s32 $0xE000;
	[dreg:$0x4] =	wrdreg s3;
	s3 =	sadd.s32 $0x340400, s6  }
0x1e: {  	v0 =	vand.u32 $0x7, v2;
	v2 =	vor.u32 $0x8, v2;
	v1 =	vmul.u32 $0x8, v1;
	[dreg:$0x3] =	wrdreg s4;
	s4 =	sadd.s32 $0x340500, s6;
	s6 =	sadd.s32 $0x340700, s6  }
.LBB2_1:
0x1f: {  	s30 =	smov.u32 s9;
	s31 =	smov.u32 s8;
	s1 =	simm.s32 $0x0  }
.LBB2_2:
0x20: {  	s0 =	rddreg [dreg:$0x4]  }
0x21: {  	s7 =	rddreg [dreg:$0x5];
	s0 =	sadd.s32 s1, s0  }
0x22: {  	[tilespmem:s7], [sflag:$0x2] =	stream.linear.gather [hbm4b:s0+s2], $0x20, $0x38;
	[tilespmem:$0x10100] =	vst v63  }
0x23: {  	_ =	swait.ge [sflag:s10], $0x20  }
0x24: {  	s0 =	rddreg [dreg:$0x3];
	[sflag:s10] =	ssyncset.done $0x0  }
0x25: {  	s7 =	rddreg [dreg:$0x6];
	[sflag:s10] =	ssyncadd.s32 $0xFFFFFFE0;
	s0 =	sadd.s32 s1, s0  }
0x26: {  	[tilespmem:s7], [sflag:$0x2] =	stream.linear.gather [hbm4b:s0+s2], $0x20, $0x38;
	[tilespmem:$0x10100] =	vst v63  }
0x27: {  	_ =	swait.ge [sflag:s10], $0x20  }
0x28: {  	[sflag:s10] =	ssyncset.done $0x0  }
0x29: {  	[sflag:s10] =	ssyncadd.s32 $0xFFFFFFE0  }
0x2a: {  	v3 =	vld [tilespmem:$0x10000];
	_ =	sdelay $0x4  }
0x2b: {  	v4 =	vshll.u32 v3, $0x3  }
0x2c: {  	v3 =	vand.u32 $0x7, v3;
	v4 =	vand.u32 $0xFFFFFFC0, v4  }
0x2d: {  	v3 =	vor.u32 v3, v4  }
0x2e: {  	v4 =	vperm.xlane v3, v0;
	_ =	sdelay $0x1  }
0x2f: {  	v4 =	vadd.s32 v1, v4;
	_ =	sdelay $0x4  }
0x30: {  	[tilespmem:s2], [sflag:$0x1] =	stream.indirect_vreg.gather [hbm4b:s3+s2], $0x80, v4, vm0, $0xb8;
	[tilespmem:$0x10100] =	vst v63  }
0x31: {  	s0 =	rddreg [dreg:$0x7];
	v3 =	vperm.xlane v3, v2  }
0x32: {  	[tilespmem:s0], [sflag:$0x1] =	stream.indirect_vreg.gather [hbm4b:s4+s2], $0x80, v4, vm0, $0xb8;
	[tilespmem:$0x10100] =	vst v63  }
0x33: {  	s7 =	rddreg [dreg:$0x8];
	v3 =	vadd.s32 v1, v3  }
0x34: {  	[tilespmem:s7], [sflag:$0x1] =	stream.indirect_vreg.gather [hbm4b:s5+s2], $0x80, v4, vm0, $0xb8;
	[tilespmem:$0x10100] =	vst v63  }
0x35: {  	s0 =	rddreg [dreg:$0x9]  }
0x36: {  	[tilespmem:s0], [sflag:$0x1] =	stream.indirect_vreg.gather [hbm4b:s6+s2], $0x80, v4, vm0, $0xb8;
	[tilespmem:$0x10100] =	vst v63  }
0x37: {  	s7 =	rddreg [dreg:$0xa]  }
0x38: {  	[tilespmem:s7], [sflag:$0x1] =	stream.indirect_vreg.gather [hbm4b:s3+s2], $0x80, v3, vm0, $0xb8;
	[tilespmem:$0x10100] =	vst v63  }
0x39: {  	s0 =	rddreg [dreg:$0xb]  }
0x3a: {  	[tilespmem:s0], [sflag:$0x1] =	stream.indirect_vreg.gather [hbm4b:s4+s2], $0x80, v3, vm0, $0xb8;
	[tilespmem:$0x10100] =	vst v63  }
0x3b: {  	s7 =	rddreg [dreg:$0xc]  }
0x3c: {  	[tilespmem:s7], [sflag:$0x1] =	stream.indirect_vreg.gather [hbm4b:s5+s2], $0x80, v3, vm0, $0xb8;
	[tilespmem:$0x10100] =	vst v63  }
0x3d: {  	s0 =	rddreg [dreg:$0xd]  }
0x3e: {  	[tilespmem:s0], [sflag:$0x1] =	stream.indirect_vreg.gather [hbm4b:s6+s2], $0x80, v3, vm0, $0xb8;
	[tilespmem:$0x10100] =	vst v63  }
0x3f: {  	v3 =	vld [tilespmem:$0x10010];
	_ =	sdelay $0x4  }
0x40: {  	v61 =	vshll.u32 v3, $0x3  }
0x41: {  	v3 =	vand.u32 $0x7, v3;
	v4 =	vand.u32 $0xFFFFFFC0, v61  }
0x42: {  	v3 =	vor.u32 v3, v4  }
0x43: {  	v4 =	vperm.xlane v3, v0;
	_ =	sdelay $0x1  }
0x44: {  	v4 =	vadd.s32 v1, v4;
	_ =	sdelay $0x3  }
0x45: {  	s0 =	rddreg [dreg:$0xe]  }
0x46: {  	[tilespmem:s0], [sflag:$0x1] =	stream.indirect_vreg.gather [hbm4b:s3+s2], $0x80, v4, vm0, $0xb8;
	[tilespmem:$0x10100] =	vst v63  }
0x47: {  	s7 =	rddreg [dreg:$0xf];
	v3 =	vperm.xlane v3, v2  }
0x48: {  	[tilespmem:s7], [sflag:$0x1] =	stream.indirect_vreg.gather [hbm4b:s4+s2], $0x80, v4, vm0, $0xb8;
	[tilespmem:$0x10100] =	vst v63  }
0x49: {  	v3 =	vadd.s32 v1, v3;
	s0 =	rddreg [dreg:$0x10]  }
0x4a: {  	[tilespmem:s0], [sflag:$0x1] =	stream.indirect_vreg.gather [hbm4b:s5+s2], $0x80, v4, vm0, $0xb8;
	[tilespmem:$0x10100] =	vst v63  }
0x4b: {  	s7 =	rddreg [dreg:$0x11]  }
0x4c: {  	[tilespmem:s7], [sflag:$0x1] =	stream.indirect_vreg.gather [hbm4b:s6+s2], $0x80, v4, vm0, $0xb8;
	[tilespmem:$0x10100] =	vst v63  }
0x4d: {  	s0 =	rddreg [dreg:$0x12]  }
0x4e: {  	[tilespmem:s0], [sflag:$0x1] =	stream.indirect_vreg.gather [hbm4b:s3+s2], $0x80, v3, vm0, $0xb8;
	[tilespmem:$0x10100] =	vst v63  }
0x4f: {  	s7 =	rddreg [dreg:$0x13]  }
0x50: {  	[tilespmem:s7], [sflag:$0x1] =	stream.indirect_vreg.gather [hbm4b:s4+s2], $0x80, v3, vm0, $0xb8;
	[tilespmem:$0x10100] =	vst v63  }
0x51: {  	s0 =	rddreg [dreg:$0x14]  }
0x52: {  	[tilespmem:s0], [sflag:$0x1] =	stream.indirect_vreg.gather [hbm4b:s5+s2], $0x80, v3, vm0, $0xb8;
	[tilespmem:$0x10100] =	vst v63  }
0x53: {  	s7 =	rddreg [dreg:$0x15]  }
0x54: {  	[tilespmem:s7], [sflag:$0x1] =	stream.indirect_vreg.gather [hbm4b:s6+s2], $0x80, v3, vm0, $0xb8;
	[tilespmem:$0x10100] =	vst v63  }
0x55: {  	v3 =	vld [tilespmem:$0x10080];
	_ =	sdelay $0x4  }
0x56: {  	v62 =	vshll.u32 v3, $0x3  }
0x57: {  	v3 =	vand.u32 $0x7, v3;
	v4 =	vand.u32 $0xFFFFFFC0, v62  }
0x58: {  	v3 =	vor.u32 v3, v4  }
0x59: {  	v4 =	vperm.xlane v3, v0;
	_ =	sdelay $0x1  }
0x5a: {  	v4 =	vadd.s32 v1, v4;
	_ =	sdelay $0x4  }
0x5b: {  	[tilespmem:s11], [sflag:$0x1] =	stream.indirect_vreg.gather [hbm4b:s3+s2], $0x80, v4, vm0, $0xb8;
	[tilespmem:$0x10100] =	vst v63  }
0x5c: {  	v3 =	vperm.xlane v3, v2  }
0x5d: {  	[tilespmem:s12], [sflag:$0x1] =	stream.indirect_vreg.gather [hbm4b:s4+s2], $0x80, v4, vm0, $0xb8;
	[tilespmem:$0x10100] =	vst v63  }
0x5e: {  	v3 =	vadd.s32 v1, v3  }
0x5f: {  	[tilespmem:s13], [sflag:$0x1] =	stream.indirect_vreg.gather [hbm4b:s5+s2], $0x80, v4, vm0, $0xb8;
	[tilespmem:$0x10100] =	vst v63  }
0x60: {  	_ = 	snop  }
0x61: {  	[tilespmem:s14], [sflag:$0x1] =	stream.indirect_vreg.gather [hbm4b:s6+s2], $0x80, v4, vm0, $0xb8;
	[tilespmem:$0x10100] =	vst v63  }
0x62: {  	_ = 	snop  }
0x63: {  	[tilespmem:s15], [sflag:$0x1] =	stream.indirect_vreg.gather [hbm4b:s3+s2], $0x80, v3, vm0, $0xb8;
	[tilespmem:$0x10100] =	vst v63  }
0x64: {  	_ = 	snop  }
0x65: {  	[tilespmem:s16], [sflag:$0x1] =	stream.indirect_vreg.gather [hbm4b:s4+s2], $0x80, v3, vm0, $0xb8;
	[tilespmem:$0x10100] =	vst v63  }
0x66: {  	_ = 	snop  }
0x67: {  	[tilespmem:s17], [sflag:$0x1] =	stream.indirect_vreg.gather [hbm4b:s5+s2], $0x80, v3, vm0, $0xb8;
	[tilespmem:$0x10100] =	vst v63  }
0x68: {  	_ = 	snop  }
0x69: {  	[tilespmem:s18], [sflag:$0x1] =	stream.indirect_vreg.gather [hbm4b:s6+s2], $0x80, v3, vm0, $0xb8;
	[tilespmem:$0x10100] =	vst v63  }
0x6a: {  	v3 =	vld [tilespmem:$0x10090];
	_ =	sdelay $0x4  }
0x6b: {  	v63 =	vshll.u32 v3, $0x3  }
0x6c: {  	v3 =	vand.u32 $0x7, v3;
	v4 =	vand.u32 $0xFFFFFFC0, v63  }
0x6d: {  	v3 =	vor.u32 v3, v4  }
0x6e: {  	v4 =	vperm.xlane v3, v0;
	_ =	sdelay $0x1  }
0x6f: {  	v4 =	vadd.s32 v1, v4;
	_ =	sdelay $0x4  }
0x70: {  	[tilespmem:s19], [sflag:$0x1] =	stream.indirect_vreg.gather [hbm4b:s3+s2], $0x80, v4, vm0, $0xb8;
	[tilespmem:$0x10100] =	vst v63  }
0x71: {  	v3 =	vperm.xlane v3, v2  }
0x72: {  	[tilespmem:s20], [sflag:$0x1] =	stream.indirect_vreg.gather [hbm4b:s4+s2], $0x80, v4, vm0, $0xb8;
	[tilespmem:$0x10100] =	vst v63  }
0x73: {  	v3 =	vadd.s32 v1, v3  }
0x74: {  	[tilespmem:s21], [sflag:$0x1] =	stream.indirect_vreg.gather [hbm4b:s5+s2], $0x80, v4, vm0, $0xb8;
	[tilespmem:$0x10100] =	vst v63  }
0x75: {  	_ = 	snop  }
0x76: {  	[tilespmem:s22], [sflag:$0x1] =	stream.indirect_vreg.gather [hbm4b:s6+s2], $0x80, v4, vm0, $0xb8;
	[tilespmem:$0x10100] =	vst v63  }
0x77: {  	_ = 	snop  }
0x78: {  	[tilespmem:s23], [sflag:$0x1] =	stream.indirect_vreg.gather [hbm4b:s3+s2], $0x80, v3, vm0, $0xb8;
	[tilespmem:$0x10100] =	vst v63  }
0x79: {  	_ = 	snop  }
0x7a: {  	[tilespmem:s24], [sflag:$0x1] =	stream.indirect_vreg.gather [hbm4b:s4+s2], $0x80, v3, vm0, $0xb8;
	[tilespmem:$0x10100] =	vst v63  }
0x7b: {  	_ = 	snop  }
0x7c: {  	[tilespmem:s25], [sflag:$0x1] =	stream.indirect_vreg.gather [hbm4b:s5+s2], $0x80, v3, vm0, $0xb8;
	[tilespmem:$0x10100] =	vst v63  }
0x7d: {  	_ = 	snop  }
0x7e: {  	[tilespmem:s26], [sflag:$0x1] =	stream.indirect_vreg.gather [hbm4b:s6+s2], $0x80, v3, vm0, $0xb8;
	[tilespmem:$0x10100] =	vst v63  }
0x7f: {  	_ =	swait.ge [sflag:s28], $0x8000  }
0x80: {  	[sflag:s28] =	ssyncset.done $0x0  }
0x81: {  	[sflag:s28] =	ssyncadd.s32 $0xFFFF8000  }
0x82: {  	_ =	swait.ge [sflag:s28], $0x8000  }
0x83: {  	[sflag:s28] =	ssyncset.done $0x0  }
0x84: {  	[sflag:s28] =	ssyncadd.s32 $0xFFFF8000  }
0x85: {  	[hbm4b:s31+s2] =	stream.linear.scatter [tilespmem:s2], [sflag:$0x2], $0x8000, $0x38;
	[tilespmem:$0x10100] =	vst v63  }
0x86: {  	_ =	swait.ge [sflag:s10], $0x8000  }
0x87: {  	p0 =	sne.s32 s1, $0xC;
	[sflag:s10] =	ssyncset.done $0x0  }
.Ltmp0:
0x88: {  	[sflag:s10] =	ssyncadd.s32 $0xFFFF8000;
	(pc) =	sbr.rel @p0 .LBB2_2-.Ltmp0, $4  }
0x89: {  	[hbm4b:s30+s2] =	stream.linear.scatter [tilespmem:s11], [sflag:$0x2], $0x8000, $0x38;
	[tilespmem:$0x10100] =	vst v63  }
0x8a: {  	_ =	swait.ge [sflag:s10], $0x8000  }
0x8b: {  	s1 =	sadd.s32 $0x4, s1;
	[sflag:s10] =	ssyncset.done $0x0  }
0x8c: {  	s31 =	sadd.s32 $0x1000, s31;
	s30 =	sadd.s32 $0x1000, s30;
	[sflag:s10] =	ssyncadd.s32 $0xFFFF8000  }
0x8d: {  	s29 =	sadd.s32 $0x1, s29;
	s0 =	rddreg [dreg:$0x16]  }
0x8e: {  	p0 =	sne.s32 s29, s0  }
.Ltmp1:
0x8f: {  	_ = 	snop;
	(pc) =	sbr.rel @p0 .LBB2_1-.Ltmp1, $1  }
0x90: {  	_ =	sdelay $0x3  }
0x91: {  	_ =	sfence.sel $0x180000  }
0x92: {  	[bflag:$0x0] =	sbarrier.arrive $0xFFFF  }
0x93: {  	_ =	strace $0x9000004A  }
0x94: {  	s0 =	stileid.u32;
	[bflag:$0x2] =	sbarrier.arrive $0xFFFF  }
0x95: {  	p0 =	sne.s32 s0, $0x0;
	s0 =	rddreg [dreg:$0x2]  }
0x96: {  	s0 =	sadd.s32 @!p0 $0x100000, s0  }
0x97: {  	[sflag:s0] =	ssyncadd.tile.s32 @!p0 $0x1;
	_ =	shalt  }
.Lfunc_end2:
_tile_overlayer_lowered:
.L_overlay_start_2:
0x98: {  	(tag) =	ssettag $0x2  }
0x99: {  	s0 =	rddreg [dreg:$0x0];
	s2 =	stileid.u32  }
0x9a: {  	s1 =	rddreg [dreg:$0x1];
	p0 =	sne.s32 s2, $0x0  }
0x9b: {  	s3 =	rddreg [dreg:$0x2];
	[bflag:$0x3] =	sbarrier.arrive $0xFFFF;
	s2 =	simm.s32 @!p0 $0x1C02  }
0x9c: {  	[timem:s3], [sflag:s2] =	dma.local @!p0 [hbm:s0], s1  }
0x9d: {  	s0 =	simm.s32 @!p0 $0x2  }
0x9e: {  	_ =	swait.ge @!p0 [sflag:s0], s1  }
0x9f: {  	s1 =	ssub.s32 @!p0 $0x0, s1;
	[sflag:s0] =	ssyncset.done @!p0 $0x0  }
0xa0: {  	[sflag:s0] =	ssyncadd.s32 @!p0 s1  }
0xa1: {  	[bflag:$0x3] =	sbarrier.arrive $0xFFFF  }
0xa2: {  	_ =	shalt  }

// kernel: kernel.7.cloned.1.call-start
scs
__scs_entry_jumppad:
0x0: {  	(pc) =	sbr.rel $0x88, $3  }
0x1: {  	(tag) =	ssettag $0x0;
	lr =	simm.s32 $0x1  }
0x2: {  	[smem:$0x3F9B] =	sst lr;
	_ =	strace $0xD0000000  }
0x3: {  	_ = 	snop  }
0x4: {  	_ = 	snop  }
0x5: {  	_ = 	snop  }
0x6: {  	_ = 	snop  }
0x7: {  	_ = 	snop  }
__scs_overlays_trampoline_lowered:
0x8: {  	[smem:$0x3FAA] =	sst s0  }
0x9: {  	[smem:$0x3FAB] =	sst s1  }
0xa: {  	[smem:$0x3FAC] =	sst s2  }
0xb: {  	[smem:$0x3FAD] =	sst s3  }
0xc: {  	[smem:$0x3FAE] =	sst s4  }
0xd: {  	[smem:$0x3FAF] =	sst s5  }
0xe: {  	[smem:$0x3FB0] =	sst s6  }
0xf: {  	[smem:$0x3FB1] =	sst s7  }
0x10: {  	[smem:$0x3FB2] =	sst s8  }
0x11: {  	[smem:$0x3FB3] =	sst s9;
	s0 =	simm.s32 @!p0 $0x0  }
0x12: {  	s1 =	sld [smem:$0x3F99];
	s0 =	simm.s32 @p0 $0x1  }
0x13: {  	[smem:$0x3FB4] =	sst s0;
	s0 =	simm.s32 @!p1 $0x0  }
0x14: {  	s2 =	sld [smem:$0x3F98];
	s0 =	simm.s32 @p1 $0x1  }
0x15: {  	[smem:$0x3FB5] =	sst s0;
	s0 =	simm.s32 @!p2 $0x0  }
0x16: {  	s3 =	sld [smem:$0x3FDB];
	s0 =	simm.s32 @p2 $0x1  }
0x17: {  	s4 =	simm.s32 $0x1BF5;
	[smem:$0x3FB7] =	sst s0  }
0x18: {  	s0 =	sld [smem:$0x3F9A];
	_ =	swait.ge [sflag:s4], $0x0  }
0x19: {  	s7 =	sld [smem:$0x3F9B]  }
0x1a: {  	s8 =	sadd.s32 $0xFFFFE003, lr  }
0x1b: {  	s9 =	sadd.s32 $0xFFFFFEF7, lr;
	s5 =	simm.s32 $0xFFFFFFFF;
	p2 =	slt.u32 s8, $0xFFFFF086  }
0x1c: {  	p1 =	slt.u32 s9, $0xF7A;
	s5 =	simm.s32 @!p2 $0x0  }
0x1d: {  	s5 =	simm.s32 @p1 $0x1;
	p0 =	seq.s32 s7, s2  }
0x1e: {  	s7 =	smul.u32 @!p0 $0xF7A, s2;
	p2 =	seq.s32 @!p0 s5, $0x0  }
0x1f: {  	s9 =	smul.u32 $0xF7A, s1;
	s8 =	simm.s32 @!p0 $0x1BF5;
	p2 =	por !p2, p0  }
0x20: {  	[sflag:s8] =	ssyncset.s32 @!p0 $0xFFFFF086;
	s6 =	sadd.s32 @!p0 s3, s7;
	s7 =	simm.s32 @!p0 $0x108  }
0x21: {  	s3 =	sadd.s32 s3, s9;
	s6 =	sadd.s32 @!p0 $0x88, s6;
	s7 =	simm.s32 @p2 $0x1082  }
0x22: {  	[simem:s7], [sflag:s8] =	dma.local @!p0 [hbm:s6], $0xF7A  }
0x23: {  	s9 =	sor.u32 $0xD0000000, s2;
	s6 =	simm.s32 $0x108;
	_ =	swait.ge @!p0 [sflag:s8], $0x0  }
0x24: {  	s3 =	sadd.s32 $0x88, s3;
	s6 =	simm.s32 @!p1 $0x1082;
	[sflag:s4] =	ssyncset.s32 $0xFFFFF086  }
0x25: {  	[simem:s6], [sflag:s4] =	dma.local [hbm:s3], $0xF7A  }
0x26: {  	[smem:$0x3F9B] =	sst s1;
	(tag) =	ssettag s2;
	_ =	strace s9  }
0x27: {  	s1 =	sld [smem:$0x3FAB]  }
0x28: {  	s2 =	sld [smem:$0x3FAC]  }
0x29: {  	s4 =	sld [smem:$0x3FAE]  }
0x2a: {  	p0 =	seq.s32 s5, $0x0;
	s5 =	sld [smem:$0x3FAF]  }
0x2b: {  	s6 =	sld [smem:$0x3FB0]  }
0x2c: {  	s7 =	sld [smem:$0x3FB1]  }
0x2d: {  	s3 =	simm.s32 $0x108;
	s8 =	sld [smem:$0x3FB2]  }
0x2e: {  	s3 =	simm.s32 @!p0 $0x1082;
	s9 =	sld [smem:$0x3FB3]  }
0x2f: {  	lr =	sadd.s32 s0, s3;
	s0 =	sld [smem:$0x3FAA]  }
0x30: {  	s3 =	sld [smem:$0x3FAD]  }
0x31: {  	[smem:$0x3FB6] =	sst s10  }
0x32: {  	s10 =	sld [smem:$0x3FB4];
	_ =	sdelay $0x3  }
0x33: {  	p0 =	seq.s32 s10, $0x1;
	s10 =	sld [smem:$0x3FB6];
	_ =	sdelay $0x3  }
0x34: {  	[smem:$0x3FB6] =	sst s10  }
0x35: {  	s10 =	sld [smem:$0x3FB5];
	_ =	sdelay $0x3  }
0x36: {  	p1 =	seq.s32 s10, $0x1;
	s10 =	sld [smem:$0x3FB6];
	_ =	sdelay $0x3  }
0x37: {  	[smem:$0x3FB6] =	sst s10  }
0x38: {  	s10 =	sld [smem:$0x3FB7]  }
0x39: {  	_ = 	snop;
	(pc) =	sbr.ind lr, $3  }
0x3a: {  	_ = 	snop  }
0x3b: {  	_ = 	snop  }
0x3c: {  	p2 =	seq.s32 s10, $0x1;
	s10 =	sld [smem:$0x3FB6]  }
0x3d: {  	_ =	shalt  }
0x3e: {  	_ =	shalt  }
0x3f: {  	_ =	shalt  }
0x40: {  	_ =	shalt  }
0x41: {  	_ =	shalt  }
0x42: {  	_ =	shalt  }
0x43: {  	_ =	shalt  }
0x44: {  	_ =	shalt  }
0x45: {  	_ =	shalt  }
0x46: {  	_ =	shalt  }
0x47: {  	_ =	shalt  }
0x48: {  	_ =	shalt  }
0x49: {  	_ =	shalt  }
0x4a: {  	_ =	shalt  }
0x4b: {  	_ =	shalt  }
0x4c: {  	_ =	shalt  }
0x4d: {  	_ =	shalt  }
0x4e: {  	_ =	shalt  }
0x4f: {  	_ =	shalt  }
0x50: {  	_ =	shalt  }
0x51: {  	_ =	shalt  }
0x52: {  	_ =	shalt  }
0x53: {  	_ =	shalt  }
0x54: {  	_ =	shalt  }
0x55: {  	_ =	shalt  }
0x56: {  	_ =	shalt  }
0x57: {  	_ =	shalt  }
0x58: {  	_ =	shalt  }
0x59: {  	_ =	shalt  }
0x5a: {  	_ =	shalt  }
0x5b: {  	_ =	shalt  }
0x5c: {  	_ =	shalt  }
0x5d: {  	_ =	shalt  }
0x5e: {  	_ =	shalt  }
0x5f: {  	_ =	shalt  }
0x60: {  	_ =	shalt  }
0x61: {  	_ =	shalt  }
0x62: {  	_ =	shalt  }
0x63: {  	_ =	shalt  }
0x64: {  	_ =	shalt  }
0x65: {  	_ =	shalt  }
0x66: {  	_ =	shalt  }
0x67: {  	_ =	shalt  }
0x68: {  	_ =	shalt  }
0x69: {  	_ =	shalt  }
0x6a: {  	_ =	shalt  }
0x6b: {  	_ =	shalt  }
0x6c: {  	_ =	shalt  }
0x6d: {  	_ =	shalt  }
0x6e: {  	_ =	shalt  }
0x6f: {  	_ =	shalt  }
0x70: {  	_ =	shalt  }
0x71: {  	_ =	shalt  }
0x72: {  	_ =	shalt  }
0x73: {  	_ =	shalt  }
0x74: {  	_ =	shalt  }
0x75: {  	_ =	shalt  }
0x76: {  	_ =	shalt  }
0x77: {  	_ =	shalt  }
0x78: {  	_ =	shalt  }
0x79: {  	_ =	shalt  }
0x7a: {  	_ =	shalt  }
0x7b: {  	_ =	shalt  }
0x7c: {  	_ =	shalt  }
0x7d: {  	_ =	shalt  }
0x7e: {  	_ =	shalt  }
0x7f: {  	_ =	shalt  }
0x80: {  	_ =	shalt  }
0x81: {  	_ =	shalt  }
0x82: {  	_ =	shalt  }
0x83: {  	_ =	shalt  }
0x84: {  	_ =	shalt  }
0x85: {  	_ =	shalt  }
0x86: {  	_ =	shalt  }
0x87: {  	_ =	shalt  }
.Lfunc_end0:
.L_simem_size_0:
called_computation_lowered:
.L_overlay_start_0:
0x88: {  	s2 =	sld [smem:$0x3FD9]  }
0x89: {  	s3 =	sld [smem:$0x3FFE];
	_ =	sdelay $0x1  }
0x8a: {  	s1 =	srdreg.scid  }
0x8b: {  	s0 =	sand.u32 $0x1, s1  }
0x8c: {  	s17 =	sshll.u32 s0, $0xA;
	s2 =	sadd.s32 s3, s2  }
0x8d: {  	s2 =	sadd.s32 s2, s17  }
0x8e: {  	[smem:$0x3FC2] =	sst s2  }
0x8f: {  	_ = 	snop  }
0x90: {  	s2 =	sld [smem:$0x3FC9];
	(tm) =	ssettm $0x1  }
0x91: {  	s18 =	sld [smem:$0x3FFB];
	_ =	sdelay $0x3  }
0x92: {  	_ =	strace s18  }
0x93: {  	s3 =	sld [smem:$0x3FFC];
	_ =	sdelay $0x3  }
0x94: {  	_ =	strace s3  }
0x95: {  	s3 =	sld [smem:$0x3FFD];
	_ =	sdelay $0x3  }
0x96: {  	_ =	strace s3  }
0x97: {  	_ =	strace $0x8FFFFFFF  }
0x98: {  	s19 =	sld [smem:$0x3FDB];
	_ =	sdelay $0x1  }
0x99: {  	s4 =	simm.s32 $_scs_section_size  }
0x9a: {  	s5 =	simm.s32 $_size__tile_overlayer_lowered;
	s6 =	simm.s32 $_tile_overlayer_lowered  }
0x9b: {  	s22 =	simm.s32 $0x1BFF;
	s21 =	sshll.u32 s6, $0x1;
	s3 =	sadd.s32 s4, s19  }
0x9c: {  	s7 =	simm.s32 $0x0;
	s20 =	sshll.u32 s5, $0x1;
	s5 =	sadd.s32 s21, s3  }
0x9d: {  	[timem:s7], [sflag:s22] =	dma.local [hbm:s5], s20  }
0x9e: {  	_ =	swait.ge [sflag:s22], s20  }
0x9f: {  	s4 =	ssub.s32 $0x0, s20;
	[sflag:s22] =	ssyncset.done $0x0  }
0xa0: {  	[sflag:s22] =	ssyncadd.s32 s4;
	_ =	sdelay $0x1  }
0xa1: {  	s23 =	simm.s32 $0x1B8B  }
0xa2: {  	_ =	swait.ge [sflag:s23], $0x1  }
0xa3: {  	[sflag:s23] =	ssyncset.done $0x0  }
0xa4: {  	s25 =	simm.s32 $0x1B8E;
	s24 =	sld [smem:$0x3FFE];
	[sflag:s23] =	ssyncadd.s32 $0xFFFFFFFF  }
0xa5: {  	s26 =	simm.s32 $execute0_lowered;
	[smem:$0x3FD2] =	sst s25  }
0xa6: {  	s5 =	sshll.u32 s26, $0x1;
	_ =	strace $0x80000046;
	[dreg:$0x1] =	wrdreg $0xFFFFFFFF  }
0xa7: {  	s28 =	simm.s32 $_size_execute0_lowered;
	s3 =	sadd.s32 s3, s5;
	[dreg:$0x0] =	wrdreg $0x0  }
0xa8: {  	s5 =	sshll.u32 s28, $0x1;
	[dreg:$0x2] =	wrdreg s3  }
0xa9: {  	[dreg:$0x3] =	wrdreg s5  }
0xaa: {  	[dreg:$0x4] =	wrdreg $0xC0  }
0xab: {  	_ =	task [dreg:s7], $0x5FFFF  }
0xac: {  	[dreg:$0x1] =	wrdreg $0xFFFFFFFF  }
0xad: {  	[dreg:$0x0] =	wrdreg $0x60  }
0xae: {  	[dreg:$0x2] =	wrdreg s2  }
0xaf: {  	[dreg:$0x3] =	wrdreg s24  }
0xb0: {  	[dreg:$0x4] =	wrdreg $0x9  }
0xb1: {  	_ =	task.clear_ibuf [dreg:s7], $0x5FFFF;
	_ =	strace $0x90000046  }
0xb2: {  	s29 =	simm.s32 $0x9;
	_ =	strace $0x80000048  }
0xb3: {  	_ =	swait.ge [sflag:s29], $0x1  }
0xb4: {  	[sflag:s29] =	ssyncadd.s32 $0xFFFFFFFF  }
0xb5: {  	_ =	strace $0x90000048  }
0xb6: {  	_ =	sfence  }
0xb7: {  	s30 =	sld [smem:$0x0];
	_ =	sdelay $0x2  }
0xb8: {  	s31 =	sshll.u32 s1, $0xD;
	s1 =	sshrl.u32 s1, $0x2  }
0xb9: {  	s3 =	sand.u32 $0x4000, s31;
	s1 =	sadd.s32 s1, s30  }
0xba: {  	s0 =	sor.u32 s3, s0;
	s1 =	sshll.u32 s1, $0x11  }
0xbb: {  	s0 =	sor.u32 s1, s0  }
0xbc: {  	s0 =	sadd.s32 $0x8F2B, s0  }
0xbd: {  	[sflag:s0] =	ssyncadd.remote.s32 $0x1  }
0xbe: {  	_ =	sfence.sel $0xFFFF  }
0xbf: {  	[dreg:$0x0] =	wrdreg $0xFFFFFFFF;
	(pc) =	sbr.abs _section_cstart, $3  }
0xc0: {  	[dreg:$0x1] =	wrdreg $0xFFFFFFFF  }
0xc1: {  	_ =	task.clear_ibuf [dreg:s7], $0x2FFFF;
	_ =	strace $0x9FFFFFFF  }
0xc2: {  	(tm) =	ssettm $0x7FFFFFFF  }
0xc3: {  	_ =	shalt  }
tec
execute0_lowered:
.L_overlay_start_1:
0x0: {  	(tag) =	ssettag $0x1  }
0x1: {  	s0 =	rddreg [dreg:$0x1]  }
0x2: {  	s2 =	simm.s32 $0x0;
	s1 =	srdreg.scid;
	s5 =	stileid.u32  }
0x3: {  	s12 =	simm.s32 $0x2;
	s7 =	simm.s32 $0x3000;
	s15 =	simm.s32 $0x3800  }
0x4: {  	s16 =	simm.s32 $0x4000;
	s17 =	simm.s32 $0x4800;
	s18 =	simm.s32 $0x5000  }
0x5: {  	s19 =	simm.s32 $0x5800;
	s28 =	simm.s32 $0x6000;
	s20 =	simm.s32 $0x6800  }
0x6: {  	s29 =	simm.s32 $0x7000;
	s30 =	simm.s32 $0x7800;
	s31 =	simm.s32 $0x8000  }
0x7: {  	s11 =	simm.s32 $0x9800;
	s13 =	simm.s32 $0xB000;
	s14 =	simm.s32 $0xC000  }
0x8: {  	s21 =	simm.s32 $0xC800;
	[smem:$0x7FF] =	sst s2;
	s3 =	sadd.s32 $0x20000, s0  }
0x9: {  	s24 =	sadd.s32 $0x20200, s0;
	s1 =	sand.u32 $0x1, s1;
	s6 =	sadd.s32 $0x20400, s0  }
0xa: {  	s5 =	sshll.u32 s5, $0x8;
	s8 =	sadd.s32 $0x20500, s0;
	s9 =	sadd.s32 $0x20600, s0  }
0xb: {  	s10 =	sadd.s32 $0x20700, s0;
	_ =	strace $0x80000047;
	[dreg:$0x3] =	wrdreg s3  }
0xc: {  	s0 =	simm.s32 $0x0;
	[dreg:$0x4] =	wrdreg s24;
	s25 =	ssub.s32 $0x2, s1  }
0xd: {  	s1 =	sshll.u32 s1, $0x7;
	s24 =	simm.s32 $0xA800;
	s4 =	sshrl.u32 s25, $0x1  }
0xe: {  	v2 =	vlaneseq.u32;
	s1 =	sor.u32 s1, s5;
	s5 =	simm.s32 $0x2800;
	s3 =	ssub.s32 s25, s4  }
0xf: {  	vm0 =	vmmov $0xffff;
	v1 =	vshrl.u32 v2, $0x3;
	[dreg:$0x5] =	wrdreg s1;
	s4 =	simm.s32 $0x2000;
	s26 =	smax.u32 s3, $0x1  }
0x10: {  	v0 =	vand.u32 $0x7, v2;
	v2 =	vor.u32 $0x8, v2;
	v1 =	vmul.u32 $0x8, v1;
	s25 =	simm.s32 $0xB800;
	s3 =	simm.s32 $0x9000;
	[dreg:$0x6] =	wrdreg s26  }
.LBB2_1:
0x11: {  	[dreg:$0x7] =	wrdreg s0;
	p0 =	por $0x1, $0x1;
	s22 =	simm.s32 $0x0  }
.LBB2_2:
0x12: {  	s23 =	rddreg [dreg:$0x5]  }
0x13: {  	s22 =	sor.u32 s23, s22  }
0x14: {  	s26 =	rddreg [dreg:$0x0];
	s23 =	sshll.u32 s22, $0x7  }
0x15: {  	s23 =	sadd.s32 s26, s23  }
0x16: {  	[tilespmem:s2], [sflag:$0x2] =	stream.linear.gather [hbm4b:s23+s2], $0x10000, $0x38;
	[tilespmem:$0x10100] =	vst v63  }
0x17: {  	_ =	swait.ge [sflag:s12], $0x10000  }
0x18: {  	s22 =	sshrl.u32 s22, $0x3;
	[sflag:s12] =	ssyncset.done $0x0;
	s0 =	rddreg [dreg:$0x3]  }
0x19: {  	s1 =	simm.s32 $0x10000;
	[sflag:s12] =	ssyncadd.s32 $0xFFFF0000;
	s23 =	sadd.s32 s0, s22  }
0x1a: {  	[tilespmem:s1], [sflag:$0x2] =	stream.linear.gather [hbm4b:s23+s2], $0x40, $0x38;
	[tilespmem:$0x10100] =	vst v63  }
0x1b: {  	_ =	swait.ge [sflag:s12], $0x40  }
0x1c: {  	[sflag:s12] =	ssyncset.done $0x0;
	s0 =	rddreg [dreg:$0x4]  }
0x1d: {  	s1 =	simm.s32 $0x10080;
	[sflag:s12] =	ssyncadd.s32 $0xFFFFFFC0;
	s22 =	sadd.s32 s0, s22  }
0x1e: {  	[tilespmem:s1], [sflag:$0x2] =	stream.linear.gather [hbm4b:s22+s2], $0x40, $0x38;
	[tilespmem:$0x10100] =	vst v63  }
0x1f: {  	_ =	swait.ge [sflag:s12], $0x40  }
0x20: {  	[sflag:s12] =	ssyncset.done $0x0  }
0x21: {  	[sflag:s12] =	ssyncadd.s32 $0xFFFFFFC0  }
0x22: {  	v3 =	vld [tilespmem:$0x10000];
	_ =	sdelay $0x4  }
0x23: {  	v4 =	vshll.u32 v3, $0x3  }
0x24: {  	v3 =	vand.u32 $0x7, v3;
	v4 =	vand.u32 $0xFFFFFFC0, v4  }
0x25: {  	v3 =	vor.u32 v3, v4  }
0x26: {  	v4 =	vperm.xlane v3, v0;
	_ =	sdelay $0x1  }
0x27: {  	v4 =	vadd.s32 v1, v4;
	_ =	sdelay $0x4  }
0x28: {  	[hbm4b:s6+s2] =	stream.indirect_vreg.scatter [tilespmem:s2], [sflag:$0x1], $0x80, v4, vm0, $0xb8;
	[tilespmem:$0x10100] =	vst v63  }
0x29: {  	s22 =	simm.s32 $0x800;
	v3 =	vperm.xlane v3, v2  }
0x2a: {  	[hbm4b:s8+s2] =	stream.indirect_vreg.scatter [tilespmem:s22], [sflag:$0x1], $0x80, v4, vm0, $0xb8;
	[tilespmem:$0x10100] =	vst v63  }
0x2b: {  	s23 =	simm.s32 $0x1000;
	v3 =	vadd.s32 v1, v3  }
0x2c: {  	[hbm4b:s9+s2] =	stream.indirect_vreg.scatter [tilespmem:s23], [sflag:$0x1], $0x80, v4, vm0, $0xb8;
	[tilespmem:$0x10100] =	vst v63  }
0x2d: {  	s26 =	simm.s32 $0x1800  }
0x2e: {  	[hbm4b:s10+s2] =	stream.indirect_vreg.scatter [tilespmem:s26], [sflag:$0x1], $0x80, v4, vm0, $0xb8;
	[tilespmem:$0x10100] =	vst v63  }
0x2f: {  	_ = 	snop  }
0x30: {  	[hbm4b:s6+s2] =	stream.indirect_vreg.scatter [tilespmem:s4], [sflag:$0x1], $0x80, v3, vm0, $0xb8;
	[tilespmem:$0x10100] =	vst v63  }
0x31: {  	_ = 	snop  }
0x32: {  	[hbm4b:s8+s2] =	stream.indirect_vreg.scatter [tilespmem:s5], [sflag:$0x1], $0x80, v3, vm0, $0xb8;
	[tilespmem:$0x10100] =	vst v63  }
0x33: {  	_ = 	snop  }
0x34: {  	[hbm4b:s9+s2] =	stream.indirect_vreg.scatter [tilespmem:s7], [sflag:$0x1], $0x80, v3, vm0, $0xb8;
	[tilespmem:$0x10100] =	vst v63  }
0x35: {  	_ = 	snop  }
0x36: {  	[hbm4b:s10+s2] =	stream.indirect_vreg.scatter [tilespmem:s15], [sflag:$0x1], $0x80, v3, vm0, $0xb8;
	[tilespmem:$0x10100] =	vst v63  }
0x37: {  	v3 =	vld [tilespmem:$0x10010];
	_ =	sdelay $0x4  }
0x38: {  	v57 =	vshll.u32 v3, $0x3  }
0x39: {  	v3 =	vand.u32 $0x7, v3;
	v4 =	vand.u32 $0xFFFFFFC0, v57  }
0x3a: {  	v3 =	vor.u32 v3, v4  }
0x3b: {  	v4 =	vperm.xlane v3, v0;
	_ =	sdelay $0x1  }
0x3c: {  	v4 =	vadd.s32 v1, v4;
	_ =	sdelay $0x4  }
0x3d: {  	[hbm4b:s6+s2] =	stream.indirect_vreg.scatter [tilespmem:s16], [sflag:$0x1], $0x80, v4, vm0, $0xb8;
	[tilespmem:$0x10100] =	vst v63  }
0x3e: {  	v3 =	vperm.xlane v3, v2  }
0x3f: {  	[hbm4b:s8+s2] =	stream.indirect_vreg.scatter [tilespmem:s17], [sflag:$0x1], $0x80, v4, vm0, $0xb8;
	[tilespmem:$0x10100] =	vst v63  }
0x40: {  	v3 =	vadd.s32 v1, v3  }
0x41: {  	[hbm4b:s9+s2] =	stream.indirect_vreg.scatter [tilespmem:s18], [sflag:$0x1], $0x80, v4, vm0, $0xb8;
	[tilespmem:$0x10100] =	vst v63  }
0x42: {  	_ = 	snop  }
0x43: {  	[hbm4b:s10+s2] =	stream.indirect_vreg.scatter [tilespmem:s19], [sflag:$0x1], $0x80, v4, vm0, $0xb8;
	[tilespmem:$0x10100] =	vst v63  }
0x44: {  	_ = 	snop  }
0x45: {  	[hbm4b:s6+s2] =	stream.indirect_vreg.scatter [tilespmem:s28], [sflag:$0x1], $0x80, v3, vm0, $0xb8;
	[tilespmem:$0x10100] =	vst v63  }
0x46: {  	_ = 	snop  }
0x47: {  	[hbm4b:s8+s2] =	stream.indirect_vreg.scatter [tilespmem:s20], [sflag:$0x1], $0x80, v3, vm0, $0xb8;
	[tilespmem:$0x10100] =	vst v63  }
0x48: {  	_ = 	snop  }
0x49: {  	[hbm4b:s9+s2] =	stream.indirect_vreg.scatter [tilespmem:s29], [sflag:$0x1], $0x80, v3, vm0, $0xb8;
	[tilespmem:$0x10100] =	vst v63  }
0x4a: {  	_ = 	snop  }
0x4b: {  	[hbm4b:s10+s2] =	stream.indirect_vreg.scatter [tilespmem:s30], [sflag:$0x1], $0x80, v3, vm0, $0xb8;
	[tilespmem:$0x10100] =	vst v63  }
0x4c: {  	v3 =	vld [tilespmem:$0x10020];
	_ =	sdelay $0x4  }
0x4d: {  	v58 =	vshll.u32 v3, $0x3  }
0x4e: {  	v3 =	vand.u32 $0x7, v3;
	v4 =	vand.u32 $0xFFFFFFC0, v58  }
0x4f: {  	v3 =	vor.u32 v3, v4  }
0x50: {  	v4 =	vperm.xlane v3, v0;
	_ =	sdelay $0x1  }
0x51: {  	v4 =	vadd.s32 v1, v4;
	_ =	sdelay $0x4  }
0x52: {  	[hbm4b:s6+s2] =	stream.indirect_vreg.scatter [tilespmem:s31], [sflag:$0x1], $0x80, v4, vm0, $0xb8;
	[tilespmem:$0x10100] =	vst v63  }
0x53: {  	s0 =	simm.s32 $0x8800;
	v3 =	vperm.xlane v3, v2  }
0x54: {  	[hbm4b:s8+s2] =	stream.indirect_vreg.scatter [tilespmem:s0], [sflag:$0x1], $0x80, v4, vm0, $0xb8;
	[tilespmem:$0x10100] =	vst v63  }
0x55: {  	v3 =	vadd.s32 v1, v3  }
0x56: {  	[hbm4b:s9+s2] =	stream.indirect_vreg.scatter [tilespmem:s3], [sflag:$0x1], $0x80, v4, vm0, $0xb8;
	[tilespmem:$0x10100] =	vst v63  }
0x57: {  	_ = 	snop  }
0x58: {  	[hbm4b:s10+s2] =	stream.indirect_vreg.scatter [tilespmem:s11], [sflag:$0x1], $0x80, v4, vm0, $0xb8;
	[tilespmem:$0x10100] =	vst v63  }
0x59: {  	s1 =	simm.s32 $0xA000  }
0x5a: {  	[hbm4b:s6+s2] =	stream.indirect_vreg.scatter [tilespmem:s1], [sflag:$0x1], $0x80, v3, vm0, $0xb8;
	[tilespmem:$0x10100] =	vst v63  }
0x5b: {  	_ = 	snop  }
0x5c: {  	[hbm4b:s8+s2] =	stream.indirect_vreg.scatter [tilespmem:s24], [sflag:$0x1], $0x80, v3, vm0, $0xb8;
	[tilespmem:$0x10100] =	vst v63  }
0x5d: {  	_ = 	snop  }
0x5e: {  	[hbm4b:s9+s2] =	stream.indirect_vreg.scatter [tilespmem:s13], [sflag:$0x1], $0x80, v3, vm0, $0xb8;
	[tilespmem:$0x10100] =	vst v63  }
0x5f: {  	_ = 	snop  }
0x60: {  	[hbm4b:s10+s2] =	stream.indirect_vreg.scatter [tilespmem:s25], [sflag:$0x1], $0x80, v3, vm0, $0xb8;
	[tilespmem:$0x10100] =	vst v63  }
0x61: {  	v3 =	vld [tilespmem:$0x10030];
	_ =	sdelay $0x4  }
0x62: {  	v59 =	vshll.u32 v3, $0x3  }
0x63: {  	v3 =	vand.u32 $0x7, v3;
	v4 =	vand.u32 $0xFFFFFFC0, v59  }
0x64: {  	v3 =	vor.u32 v3, v4  }
0x65: {  	v4 =	vperm.xlane v3, v0;
	_ =	sdelay $0x1  }
0x66: {  	v4 =	vadd.s32 v1, v4;
	_ =	sdelay $0x4  }
0x67: {  	[hbm4b:s6+s2] =	stream.indirect_vreg.scatter [tilespmem:s14], [sflag:$0x1], $0x80, v4, vm0, $0xb8;
	[tilespmem:$0x10100] =	vst v63  }
0x68: {  	v3 =	vperm.xlane v3, v2  }
0x69: {  	[hbm4b:s8+s2] =	stream.indirect_vreg.scatter [tilespmem:s21], [sflag:$0x1], $0x80, v4, vm0, $0xb8;
	[tilespmem:$0x10100] =	vst v63  }
0x6a: {  	s0 =	simm.s32 $0xD000;
	v3 =	vadd.s32 v1, v3  }
0x6b: {  	[hbm4b:s9+s2] =	stream.indirect_vreg.scatter [tilespmem:s0], [sflag:$0x1], $0x80, v4, vm0, $0xb8;
	[tilespmem:$0x10100] =	vst v63  }
0x6c: {  	s0 =	simm.s32 $0xD800  }
0x6d: {  	[hbm4b:s10+s2] =	stream.indirect_vreg.scatter [tilespmem:s0], [sflag:$0x1], $0x80, v4, vm0, $0xb8;
	[tilespmem:$0x10100] =	vst v63  }
0x6e: {  	s0 =	simm.s32 $0xE000  }
0x6f: {  	[hbm4b:s6+s2] =	stream.indirect_vreg.scatter [tilespmem:s0], [sflag:$0x1], $0x80, v3, vm0, $0xb8;
	[tilespmem:$0x10100] =	vst v63  }
0x70: {  	s0 =	simm.s32 $0xE800  }
0x71: {  	[hbm4b:s8+s2] =	stream.indirect_vreg.scatter [tilespmem:s0], [sflag:$0x1], $0x80, v3, vm0, $0xb8;
	[tilespmem:$0x10100] =	vst v63  }
0x72: {  	s0 =	simm.s32 $0xF000  }
0x73: {  	[hbm4b:s9+s2] =	stream.indirect_vreg.scatter [tilespmem:s0], [sflag:$0x1], $0x80, v3, vm0, $0xb8;
	[tilespmem:$0x10100] =	vst v63  }
0x74: {  	s0 =	simm.s32 $0xF800  }
0x75: {  	[hbm4b:s10+s2] =	stream.indirect_vreg.scatter [tilespmem:s0], [sflag:$0x1], $0x80, v3, vm0, $0xb8;
	[tilespmem:$0x10100] =	vst v63  }
0x76: {  	v3 =	vld [tilespmem:$0x10080];
	_ =	sdelay $0x4  }
0x77: {  	v60 =	vshll.u32 v3, $0x3  }
0x78: {  	v3 =	vand.u32 $0x7, v3;
	v4 =	vand.u32 $0xFFFFFFC0, v60  }
0x79: {  	v3 =	vor.u32 v3, v4  }
0x7a: {  	v4 =	vperm.xlane v3, v0;
	_ =	sdelay $0x1  }
0x7b: {  	v4 =	vadd.s32 v1, v4;
	_ =	sdelay $0x4  }
0x7c: {  	[hbm4b:s6+s2] =	stream.indirect_vreg.scatter [tilespmem:s2], [sflag:$0x1], $0x80, v4, vm0, $0xb8;
	[tilespmem:$0x10100] =	vst v63  }
0x7d: {  	v3 =	vperm.xlane v3, v2  }
0x7e: {  	[hbm4b:s8+s2] =	stream.indirect_vreg.scatter [tilespmem:s22], [sflag:$0x1], $0x80, v4, vm0, $0xb8;
	[tilespmem:$0x10100] =	vst v63  }
0x7f: {  	v3 =	vadd.s32 v1, v3  }
0x80: {  	[hbm4b:s9+s2] =	stream.indirect_vreg.scatter [tilespmem:s23], [sflag:$0x1], $0x80, v4, vm0, $0xb8;
	[tilespmem:$0x10100] =	vst v63  }
0x81: {  	_ = 	snop  }
0x82: {  	[hbm4b:s10+s2] =	stream.indirect_vreg.scatter [tilespmem:s26], [sflag:$0x1], $0x80, v4, vm0, $0xb8;
	[tilespmem:$0x10100] =	vst v63  }
0x83: {  	_ = 	snop  }
0x84: {  	[hbm4b:s6+s2] =	stream.indirect_vreg.scatter [tilespmem:s4], [sflag:$0x1], $0x80, v3, vm0, $0xb8;
	[tilespmem:$0x10100] =	vst v63  }
0x85: {  	_ = 	snop  }
0x86: {  	[hbm4b:s8+s2] =	stream.indirect_vreg.scatter [tilespmem:s5], [sflag:$0x1], $0x80, v3, vm0, $0xb8;
	[tilespmem:$0x10100] =	vst v63  }
0x87: {  	_ = 	snop  }
0x88: {  	[hbm4b:s9+s2] =	stream.indirect_vreg.scatter [tilespmem:s7], [sflag:$0x1], $0x80, v3, vm0, $0xb8;
	[tilespmem:$0x10100] =	vst v63  }
0x89: {  	_ = 	snop  }
0x8a: {  	[hbm4b:s10+s2] =	stream.indirect_vreg.scatter [tilespmem:s15], [sflag:$0x1], $0x80, v3, vm0, $0xb8;
	[tilespmem:$0x10100] =	vst v63  }
0x8b: {  	v3 =	vld [tilespmem:$0x10090];
	_ =	sdelay $0x4  }
0x8c: {  	v61 =	vshll.u32 v3, $0x3  }
0x8d: {  	v3 =	vand.u32 $0x7, v3;
	v4 =	vand.u32 $0xFFFFFFC0, v61  }
0x8e: {  	v3 =	vor.u32 v3, v4  }
0x8f: {  	v4 =	vperm.xlane v3, v0;
	_ =	sdelay $0x1  }
0x90: {  	v4 =	vadd.s32 v1, v4;
	_ =	sdelay $0x4  }
0x91: {  	[hbm4b:s6+s2] =	stream.indirect_vreg.scatter [tilespmem:s16], [sflag:$0x1], $0x80, v4, vm0, $0xb8;
	[tilespmem:$0x10100] =	vst v63  }
0x92: {  	v3 =	vperm.xlane v3, v2  }
0x93: {  	[hbm4b:s8+s2] =	stream.indirect_vreg.scatter [tilespmem:s17], [sflag:$0x1], $0x80, v4, vm0, $0xb8;
	[tilespmem:$0x10100] =	vst v63  }
0x94: {  	v3 =	vadd.s32 v1, v3  }
0x95: {  	[hbm4b:s9+s2] =	stream.indirect_vreg.scatter [tilespmem:s18], [sflag:$0x1], $0x80, v4, vm0, $0xb8;
	[tilespmem:$0x10100] =	vst v63  }
0x96: {  	_ = 	snop  }
0x97: {  	[hbm4b:s10+s2] =	stream.indirect_vreg.scatter [tilespmem:s19], [sflag:$0x1], $0x80, v4, vm0, $0xb8;
	[tilespmem:$0x10100] =	vst v63  }
0x98: {  	_ = 	snop  }
0x99: {  	[hbm4b:s6+s2] =	stream.indirect_vreg.scatter [tilespmem:s28], [sflag:$0x1], $0x80, v3, vm0, $0xb8;
	[tilespmem:$0x10100] =	vst v63  }
0x9a: {  	_ = 	snop  }
0x9b: {  	[hbm4b:s8+s2] =	stream.indirect_vreg.scatter [tilespmem:s20], [sflag:$0x1], $0x80, v3, vm0, $0xb8;
	[tilespmem:$0x10100] =	vst v63  }
0x9c: {  	_ = 	snop  }
0x9d: {  	[hbm4b:s9+s2] =	stream.indirect_vreg.scatter [tilespmem:s29], [sflag:$0x1], $0x80, v3, vm0, $0xb8;
	[tilespmem:$0x10100] =	vst v63  }
0x9e: {  	_ = 	snop  }
0x9f: {  	[hbm4b:s10+s2] =	stream.indirect_vreg.scatter [tilespmem:s30], [sflag:$0x1], $0x80, v3, vm0, $0xb8;
	[tilespmem:$0x10100] =	vst v63  }
0xa0: {  	v3 =	vld [tilespmem:$0x100A0];
	_ =	sdelay $0x4  }
0xa1: {  	v62 =	vshll.u32 v3, $0x3  }
0xa2: {  	v3 =	vand.u32 $0x7, v3;
	v4 =	vand.u32 $0xFFFFFFC0, v62  }
0xa3: {  	v3 =	vor.u32 v3, v4  }
0xa4: {  	v4 =	vperm.xlane v3, v0;
	_ =	sdelay $0x1  }
0xa5: {  	v4 =	vadd.s32 v1, v4;
	_ =	sdelay $0x4  }
0xa6: {  	[hbm4b:s6+s2] =	stream.indirect_vreg.scatter [tilespmem:s31], [sflag:$0x1], $0x80, v4, vm0, $0xb8;
	[tilespmem:$0x10100] =	vst v63  }
0xa7: {  	s26 =	simm.s32 $0x8800;
	v3 =	vperm.xlane v3, v2  }
0xa8: {  	[hbm4b:s8+s2] =	stream.indirect_vreg.scatter [tilespmem:s26], [sflag:$0x1], $0x80, v4, vm0, $0xb8;
	[tilespmem:$0x10100] =	vst v63  }
0xa9: {  	v3 =	vadd.s32 v1, v3  }
0xaa: {  	[hbm4b:s9+s2] =	stream.indirect_vreg.scatter [tilespmem:s3], [sflag:$0x1], $0x80, v4, vm0, $0xb8;
	[tilespmem:$0x10100] =	vst v63  }
0xab: {  	_ = 	snop  }
0xac: {  	[hbm4b:s10+s2] =	stream.indirect_vreg.scatter [tilespmem:s11], [sflag:$0x1], $0x80, v4, vm0, $0xb8;
	[tilespmem:$0x10100] =	vst v63  }
0xad: {  	_ = 	snop  }
0xae: {  	[hbm4b:s6+s2] =	stream.indirect_vreg.scatter [tilespmem:s1], [sflag:$0x1], $0x80, v3, vm0, $0xb8;
	[tilespmem:$0x10100] =	vst v63  }
0xaf: {  	_ = 	snop  }
0xb0: {  	[hbm4b:s8+s2] =	stream.indirect_vreg.scatter [tilespmem:s24], [sflag:$0x1], $0x80, v3, vm0, $0xb8;
	[tilespmem:$0x10100] =	vst v63  }
0xb1: {  	_ = 	snop  }
0xb2: {  	[hbm4b:s9+s2] =	stream.indirect_vreg.scatter [tilespmem:s13], [sflag:$0x1], $0x80, v3, vm0, $0xb8;
	[tilespmem:$0x10100] =	vst v63  }
0xb3: {  	_ = 	snop  }
0xb4: {  	[hbm4b:s10+s2] =	stream.indirect_vreg.scatter [tilespmem:s25], [sflag:$0x1], $0x80, v3, vm0, $0xb8;
	[tilespmem:$0x10100] =	vst v63  }
0xb5: {  	v3 =	vld [tilespmem:$0x100B0];
	_ =	sdelay $0x4  }
0xb6: {  	v63 =	vshll.u32 v3, $0x3  }
0xb7: {  	v3 =	vand.u32 $0x7, v3;
	v4 =	vand.u32 $0xFFFFFFC0, v63  }
0xb8: {  	v3 =	vor.u32 v3, v4  }
0xb9: {  	v4 =	vperm.xlane v3, v0;
	_ =	sdelay $0x1  }
0xba: {  	v4 =	vadd.s32 v1, v4;
	_ =	sdelay $0x4  }
0xbb: {  	[hbm4b:s6+s2] =	stream.indirect_vreg.scatter [tilespmem:s14], [sflag:$0x1], $0x80, v4, vm0, $0xb8;
	[tilespmem:$0x10100] =	vst v63  }
0xbc: {  	v3 =	vperm.xlane v3, v2  }
0xbd: {  	[hbm4b:s8+s2] =	stream.indirect_vreg.scatter [tilespmem:s21], [sflag:$0x1], $0x80, v4, vm0, $0xb8;
	[tilespmem:$0x10100] =	vst v63  }
0xbe: {  	s22 =	simm.s32 $0xD000;
	v3 =	vadd.s32 v1, v3  }
0xbf: {  	[hbm4b:s9+s2] =	stream.indirect_vreg.scatter [tilespmem:s22], [sflag:$0x1], $0x80, v4, vm0, $0xb8;
	[tilespmem:$0x10100] =	vst v63  }
0xc0: {  	s23 =	simm.s32 $0xD800  }
0xc1: {  	[hbm4b:s10+s2] =	stream.indirect_vreg.scatter [tilespmem:s23], [sflag:$0x1], $0x80, v4, vm0, $0xb8;
	[tilespmem:$0x10100] =	vst v63  }
0xc2: {  	s26 =	simm.s32 $0xE000  }
0xc3: {  	[hbm4b:s6+s2] =	stream.indirect_vreg.scatter [tilespmem:s26], [sflag:$0x1], $0x80, v3, vm0, $0xb8;
	[tilespmem:$0x10100] =	vst v63  }
0xc4: {  	s22 =	simm.s32 $0xE800  }
0xc5: {  	[hbm4b:s8+s2] =	stream.indirect_vreg.scatter [tilespmem:s22], [sflag:$0x1], $0x80, v3, vm0, $0xb8;
	[tilespmem:$0x10100] =	vst v63  }
0xc6: {  	s23 =	simm.s32 $0xF000  }
0xc7: {  	[hbm4b:s9+s2] =	stream.indirect_vreg.scatter [tilespmem:s23], [sflag:$0x1], $0x80, v3, vm0, $0xb8;
	[tilespmem:$0x10100] =	vst v63  }
0xc8: {  	s0 =	simm.s32 $0x1;
	s26 =	simm.s32 $0xF800  }
0xc9: {  	[hbm4b:s10+s2] =	stream.indirect_vreg.scatter [tilespmem:s26], [sflag:$0x1], $0x80, v3, vm0, $0xb8;
	[tilespmem:$0x10100] =	vst v63  }
0xca: {  	p1 =	por p0, p0;
	_ =	swait.ge [sflag:s0], $0x10000  }
.Ltmp0:
0xcb: {  	[sflag:s0] =	ssyncset.done $0x0;
	(pc) =	sbr.rel @p1 .LBB2_2-.Ltmp0, $4  }
0xcc: {  	[sflag:s0] =	ssyncadd.s32 $0xFFFF0000  }
0xcd: {  	_ =	swait.ge [sflag:s0], $0x10000  }
0xce: {  	[sflag:s0] =	ssyncset.done $0x0  }
0xcf: {  	p0 =	por $0x0, $0x0;
	s22 =	simm.s32 $0x40;
	[sflag:s0] =	ssyncadd.s32 $0xFFFF0000  }
0xd0: {  	s0 =	rddreg [dreg:$0x7]  }
0xd1: {  	s22 =	rddreg [dreg:$0x6];
	s0 =	sadd.s32 $0x1, s0  }
0xd2: {  	p0 =	sne.s32 s0, s22  }
.Ltmp1:
0xd3: {  	_ = 	snop;
	(pc) =	sbr.rel @p0 .LBB2_1-.Ltmp1, $1  }
0xd4: {  	_ =	sdelay $0x3  }
0xd5: {  	_ =	sfence.sel $0x180000  }
0xd6: {  	[bflag:$0x0] =	sbarrier.arrive $0xFFFF  }
0xd7: {  	_ =	strace $0x90000047  }
0xd8: {  	s0 =	stileid.u32;
	[bflag:$0x2] =	sbarrier.arrive $0xFFFF  }
0xd9: {  	p0 =	sne.s32 s0, $0x0;
	s0 =	rddreg [dreg:$0x2]  }
0xda: {  	s0 =	sadd.s32 @!p0 $0x100000, s0  }
0xdb: {  	[sflag:s0] =	ssyncadd.tile.s32 @!p0 $0x1;
	_ =	shalt  }
.Lfunc_end2:
_tile_overlayer_lowered:
.L_overlay_start_2:
0xdc: {  	(tag) =	ssettag $0x2  }
0xdd: {  	s0 =	rddreg [dreg:$0x0];
	s2 =	stileid.u32  }
0xde: {  	s1 =	rddreg [dreg:$0x1];
	p0 =	sne.s32 s2, $0x0  }
0xdf: {  	s3 =	rddreg [dreg:$0x2];
	[bflag:$0x3] =	sbarrier.arrive $0xFFFF;
	s2 =	simm.s32 @!p0 $0x1C02  }
0xe0: {  	[timem:s3], [sflag:s2] =	dma.local @!p0 [hbm:s0], s1  }
0xe1: {  	s0 =	simm.s32 @!p0 $0x2  }
0xe2: {  	_ =	swait.ge @!p0 [sflag:s0], s1  }
0xe3: {  	s1 =	ssub.s32 @!p0 $0x0, s1;
	[sflag:s0] =	ssyncset.done @!p0 $0x0  }
0xe4: {  	[sflag:s0] =	ssyncadd.s32 @!p0 s1  }
0xe5: {  	[bflag:$0x3] =	sbarrier.arrive $0xFFFF  }
0xe6: {  	_ =	shalt  }

</sc_bundles>
